<compile_context>
chip_gen: v7x
topology: tpu7x:2x2x1
jax: 0.10.2.dev20260603
libtpu: 0.0.44.dev20260713+nightly
codegen_flags: <defaults>
</compile_context>

<pallas_src>
import functools

import jax
import jax.numpy as jnp
from jax import lax
from jax.experimental import pallas as pl
from jax.experimental.pallas import tpu as pltpu
from jax.experimental.pallas import tpu_sc as plsc

_N = 10000
_D = 128
_E = 320000
_P = 16384

_NC = 2
_NS = 16
_NW = _NC * _NS
_L = 128
_HD = _D // 2
_KJ = 158
_NB = 2
_EPAD = _NS * _KJ * _L
_NP = 10240
_RPT = _NP // _NS
_PJ = (2 * _P) // (_NW * _L)


def _sc_agg_body(h_hbm, sidx_hbm, didx_hbm, zo_hbm, agg_out, cnt_out,
                 sidx_v, didx_v, r0, r1, zo_v, acc_sh, cnt_sh,
                 g0, g1):
    cid = lax.axis_index("c")
    sid = lax.axis_index("s")
    bufs = (r0, r1)
    gsems = (g0, g1)
    rows_v = r0

    pltpu.sync_copy(zo_hbm, zo_v)
    pltpu.sync_copy(zo_v.at[pl.ds(0, _RPT)],
                    cnt_sh.at[pl.ds(sid * _RPT, _RPT)])

    def _zrow(r, c):
        for k in range(_HD // 16):
            rows_v[r, pl.ds(k * 16, 16)] = jnp.zeros((16,), jnp.float32)
        return c
    lax.fori_loop(0, _L, _zrow, 0)
    for b in range(_RPT // _L):
        pltpu.sync_copy(rows_v, acc_sh.at[pl.ds(sid * _RPT + b * _L, _L)])

    pltpu.sync_copy(sidx_hbm.at[cid, sid], sidx_v)
    pltpu.sync_copy(didx_hbm.at[sid], didx_v)
    plsc.subcore_barrier()

    def _gather(j, b):
        return pltpu.make_async_copy(h_hbm.at[sidx_v.at[j]], bufs[b],
                                     gsems[b])

    def _consume(j, b):
        _gather(j, b).wait()
        pltpu.sync_copy(bufs[b], acc_sh.at[didx_v.at[j]], add=True)
        pltpu.sync_copy(zo_v.at[pl.ds(_RPT, _L)], cnt_sh.at[didx_v.at[j]],
                        add=True)

    for b in range(_NB):
        _gather(b, b).start()

    def _outer(g, c):
        for b in range(_NB):
            j = g * _NB + b
            _consume(j, b)
            _gather(j + _NB, b).start()
        return c
    lax.fori_loop(0, _KJ // _NB - 1, _outer, 0)
    for b in range(_NB):
        _consume(_KJ - _NB + b, b)
    plsc.subcore_barrier()

    pltpu.sync_copy(acc_sh.at[pl.ds(sid * _RPT, _RPT)],
                    agg_out.at[cid, pl.ds(sid * _RPT, _RPT)])

    @pl.when(cid == 0)
    def _():
        pltpu.sync_copy(cnt_sh.at[pl.ds(sid * _RPT, _RPT)],
                        cnt_out.at[pl.ds(sid * _RPT, _RPT)])


_agg_call = pl.kernel(
    _sc_agg_body,
    out_type=[
        jax.ShapeDtypeStruct((_NC, _NP, _HD), jnp.float32),
        jax.ShapeDtypeStruct((_NP, 8), jnp.float32),
    ],
    mesh=plsc.VectorSubcoreMesh(core_axis_name="c", subcore_axis_name="s"),
    scratch_types=[
        pltpu.VMEM((_KJ, _L), jnp.int32),
        pltpu.VMEM((_KJ, _L), jnp.int32),
        pltpu.VMEM((_L, _HD), jnp.float32),
        pltpu.VMEM((_L, _HD), jnp.float32),
        pltpu.VMEM((_RPT + _L, 8), jnp.float32),
        pltpu.VMEM_SHARED((_NP, _HD), jnp.float32),
        pltpu.VMEM_SHARED((_NP, 8), jnp.float32),
        pltpu.SemaphoreType.DMA,
        pltpu.SemaphoreType.DMA,
    ],
    compiler_params=pltpu.CompilerParams(use_tc_tiling_on_sc=False),
)


def _sc_prod_body(h_hbm, sidx_hbm, didx_hbm, z_out, sidx_v, didx_v,
                  a0, b0, a1, b1, s0, s1):
    cid = lax.axis_index("c")
    sid = lax.axis_index("s")
    wid = cid * _NS + sid
    abufs = (a0, a1)
    bbufs = (b0, b1)
    sems = (s0, s1)
    pltpu.sync_copy(sidx_hbm.at[wid], sidx_v)
    pltpu.sync_copy(didx_hbm.at[wid], didx_v)

    def _gathers(j, b):
        return (pltpu.make_async_copy(h_hbm.at[sidx_v.at[j]], abufs[b],
                                      sems[b]),
                pltpu.make_async_copy(h_hbm.at[didx_v.at[j]], bbufs[b],
                                      sems[b]))

    def _consume(j, b):
        ca, cb = _gathers(j, b)
        ca.wait()
        cb.wait()
        a_v, b_v = abufs[b], bbufs[b]

        def _mul(r, cc):
            for k in range(8):
                sl = pl.ds(k * 16, 16)
                a_v[r, sl] = a_v[r, sl] * b_v[r, sl]
            return cc
        lax.fori_loop(0, _L, _mul, 0)
        pltpu.sync_copy(a_v, z_out.at[pl.ds((wid * _PJ + j) * _L, _L)])

    for b in range(2):
        ca, cb = _gathers(b, b)
        ca.start()
        cb.start()

    def _outer(g, c):
        for b in range(2):
            j = g * 2 + b
            _consume(j, b)
            ca, cb = _gathers(j + 2, b)
            ca.start()
            cb.start()
        return c
    lax.fori_loop(0, _PJ // 2 - 1, _outer, 0)
    for b in range(2):
        _consume(_PJ - 2 + b, b)


_prod_call = pl.kernel(
    _sc_prod_body,
    out_type=jax.ShapeDtypeStruct((2 * _P, _D), jnp.float32),
    mesh=plsc.VectorSubcoreMesh(core_axis_name="c", subcore_axis_name="s"),
    scratch_types=[
        pltpu.VMEM((_PJ, _L), jnp.int32),
        pltpu.VMEM((_PJ, _L), jnp.int32),
        pltpu.VMEM((_L, _D), jnp.float32),
        pltpu.VMEM((_L, _D), jnp.float32),
        pltpu.VMEM((_L, _D), jnp.float32),
        pltpu.VMEM((_L, _D), jnp.float32),
        pltpu.SemaphoreType.DMA,
        pltpu.SemaphoreType.DMA,
    ],
)


def _tc_sage_body(h_ref, agg_ref, cnt_ref, ws_ref, wn_ref, b_ref, fl_ref,
                  out_ref):
    fl = fl_ref[0, 0] > 0.0
    ws = jnp.where(fl, ws_ref[0], ws_ref[1])
    wn = jnp.where(fl, wn_ref[0], wn_ref[1])
    b = jnp.where(fl, b_ref[0:1, :], b_ref[1:2, :])
    agg = jnp.concatenate([agg_ref[0], agg_ref[1]], axis=1)
    cnt = cnt_ref[:, 0:1]
    mean = agg / jnp.maximum(cnt, 1.0)
    y = (jnp.dot(h_ref[...], ws, preferred_element_type=jnp.float32)
         + jnp.dot(mean, wn, preferred_element_type=jnp.float32)
         + b)
    out_ref[...] = jnp.where(fl, jnp.maximum(y, 0.0), y)


def _tc_sage(h, agg, cnt, ws_s, wn_s, b_s, fl):
    r = 2000
    return pl.pallas_call(
        _tc_sage_body,
        grid=(_N // r,),
        in_specs=[
            pl.BlockSpec((r, _D), lambda i: (i, 0)),
            pl.BlockSpec((_NC, r, _HD), lambda i: (0, i, 0)),
            pl.BlockSpec((r, 8), lambda i: (i, 0)),
            pl.BlockSpec((2, _D, _D), lambda i: (0, 0, 0)),
            pl.BlockSpec((2, _D, _D), lambda i: (0, 0, 0)),
            pl.BlockSpec((2, _D), lambda i: (0, 0)),
            pl.BlockSpec((1, 1), lambda i: (0, 0)),
        ],
        out_specs=pl.BlockSpec((r, _D), lambda i: (i, 0)),
        out_shape=jax.ShapeDtypeStruct((_N, _D), jnp.float32),
    )(h, agg, cnt, ws_s, wn_s, b_s, fl.reshape(1, 1))


def _tc_pred_body(z_ref, w1_ref, b1_ref, w2_ref, b2_ref, o_ref):
    t = jnp.dot(z_ref[...], w1_ref[...], preferred_element_type=jnp.float32)
    t = jnp.maximum(t + b1_ref[...], 0.0)
    o_ref[...] = (jnp.dot(t, w2_ref[...], preferred_element_type=jnp.float32)
                  + b2_ref[...])


def _tc_pred(z, w1, b1, w2, b2):
    r = 8192
    return pl.pallas_call(
        _tc_pred_body,
        grid=((2 * _P) // r,),
        in_specs=[
            pl.BlockSpec((r, _D), lambda i: (i, 0)),
            pl.BlockSpec((_D, _D), lambda i: (0, 0)),
            pl.BlockSpec((1, _D), lambda i: (0, 0)),
            pl.BlockSpec((_D, 1), lambda i: (0, 0)),
            pl.BlockSpec((1, 1), lambda i: (0, 0)),
        ],
        out_specs=pl.BlockSpec((r, 1), lambda i: (i, 0)),
        out_shape=jax.ShapeDtypeStruct((2 * _P, 1), jnp.float32),
    )(z, w1, b1.reshape(1, _D), w2, b2.reshape(1, 1))


def kernel(x, edge_index, pos_edges, neg_edges,
           W_self1, W_neigh1, b1, W_self2, W_neigh2, b2,
           Wp1, bp1, Wp2, bp2):
    pad = _EPAD - _E
    src_p = jnp.concatenate(
        [edge_index[0], jnp.zeros((pad,), jnp.int32)]).reshape(_NS, _KJ, _L)
    sidx = jnp.stack([2 * src_p, 2 * src_p + 1])
    pad_dst = _N + jnp.arange(pad, dtype=jnp.int32) % (_NP - _N)
    zo = jnp.concatenate([jnp.zeros((_RPT, 8), jnp.float32),
                          jnp.ones((_L, 8), jnp.float32)])
    didx = jnp.concatenate(
        [edge_index[1], pad_dst]).reshape(_NS, _KJ, _L)

    ws_s = jnp.stack([W_self1, W_self2])
    wn_s = jnp.stack([W_neigh1, W_neigh2])
    b_s = jnp.stack([b1, b2])

    n_iter = 2 + jnp.minimum(edge_index[0, 0], 0)

    def _cond(carry):
        i, _ = carry
        return i < n_iter

    def _layer(carry):
        i, h = carry
        fl = jnp.where(i == 0, 1.0, 0.0).astype(jnp.float32)
        agg, cnt = _agg_call(h.reshape(2 * _N, _HD), sidx, didx, zo)
        return i + 1, _tc_sage(h, agg, cnt, ws_s, wn_s, b_s, fl)

    _, h2 = lax.while_loop(_cond, _layer, (jnp.int32(0), x))

    esrc = jnp.concatenate([pos_edges[0], neg_edges[0]]).reshape(_NW, _PJ, _L)
    edst = jnp.concatenate([pos_edges[1], neg_edges[1]]).reshape(_NW, _PJ, _L)
    z = _prod_call(h2, esrc, edst)
    scores = _tc_pred(z, Wp1, bp1, Wp2, bp2)
    return (scores[:_P], scores[_P:])

# --- scband reference (transcript-rebuilt; emitter-appended) ---
"""Pipeline reference for scband-sage-59304908423843 (READ-ONLY COPY).

The authoritative reference and input builder live on the scoring server;
editing this copy changes nothing except your own understanding.
"""

import jax, jax.numpy as jnp
import numpy as np

N = 10000
E = 320000
D = 128
H = 128
P = 16384


def setup_inputs(seed: int = 0) -> dict:
    key = jax.random.key(seed)
    ks = jax.random.split(key, 16)
    x = jax.random.normal(ks[0], (N, D), dtype=jnp.float32)
    edge_index = jax.random.randint(ks[1], (2, E), 0, N, dtype=jnp.int32)
    pos_edges = jax.random.randint(ks[2], (2, P), 0, N, dtype=jnp.int32)
    neg_edges = jax.random.randint(ks[3], (2, P), 0, N, dtype=jnp.int32)
    s_in = 1.0 / np.sqrt(D)
    s_h = 1.0 / np.sqrt(H)
    W_self1 = jax.random.normal(ks[4], (D, H), dtype=jnp.float32) * s_in
    W_neigh1 = jax.random.normal(ks[5], (D, H), dtype=jnp.float32) * s_in
    b1 = jnp.zeros((H,), dtype=jnp.float32)
    W_self2 = jax.random.normal(ks[6], (H, H), dtype=jnp.float32) * s_h
    W_neigh2 = jax.random.normal(ks[7], (H, H), dtype=jnp.float32) * s_h
    b2 = jnp.zeros((H,), dtype=jnp.float32)
    Wp1 = jax.random.normal(ks[8], (H, H), dtype=jnp.float32) * s_h
    bp1 = jnp.zeros((H,), dtype=jnp.float32)
    Wp2 = jax.random.normal(ks[9], (H, 1), dtype=jnp.float32) * s_h
    bp2 = jnp.zeros((1,), dtype=jnp.float32)
    return {
        'x': x, 'edge_index': edge_index, 'pos_edges': pos_edges, 'neg_edges': neg_edges,
        'W_self1': W_self1, 'W_neigh1': W_neigh1, 'b1': b1,
        'W_self2': W_self2, 'W_neigh2': W_neigh2, 'b2': b2,
        'Wp1': Wp1, 'bp1': bp1, 'Wp2': Wp2, 'bp2': bp2,
    }


def _sage_conv(h, edge_index, W_self, W_neigh, b):
    # DGL SAGEConv with 'mean' aggregator:
    # h_out = fc_self(h_dst) + fc_neigh(mean_{src in N(dst)} h_src) + bias
    src = edge_index[0]
    dst = edge_index[1]
    msgs = jnp.take(h, src, axis=0)                      # gather  [E, d]
    agg = jax.ops.segment_sum(msgs, dst, num_segments=N)  # scatter-add [N, d]
    cnt = jax.ops.segment_sum(jnp.ones((msgs.shape[0], 1), dtype=h.dtype), dst, num_segments=N)
    mean = agg / jnp.maximum(cnt, 1.0)
    return h @ W_self + mean @ W_neigh + b


def _predictor(z, Wp1, bp1, Wp2, bp2):
    return jax.nn.relu(z @ Wp1 + bp1) @ Wp2 + bp2


def reference(x, edge_index, pos_edges, neg_edges,
              W_self1, W_neigh1, b1, W_self2, W_neigh2, b2,
              Wp1, bp1, Wp2, bp2):
    h = _sage_conv(x, edge_index, W_self1, W_neigh1, b1)
    h = jax.nn.relu(h)
    h = _sage_conv(h, edge_index, W_self2, W_neigh2, b2)
    pos_src, pos_dst = pos_edges[0], pos_edges[1]
    neg_src, neg_dst = neg_edges[0], neg_edges[1]
    h_pos = _predictor(jnp.take(h, pos_src, axis=0) * jnp.take(h, pos_dst, axis=0), Wp1, bp1, Wp2, bp2)
    h_neg = _predictor(jnp.take(h, neg_src, axis=0) * jnp.take(h, neg_dst, axis=0), Wp1, bp1, Wp2, bp2)
    return (h_pos, h_neg)

if __name__ == "__main__":
    import jax
    _d = setup_inputs()
    print(jax.jit(kernel)(*tuple(_d.values())))

</pallas_src>

<mosaic_0001>
#map = affine_map<(d0, d1) -> (0, 0)>
#map1 = affine_map<(d0, d1) -> (0, 0, 0)>
module attributes {stable_mosaic.version = 14 : i64} {
  func.func @_sc_prod_body(%arg0: i32, %arg1: i32, %arg2: memref<10000x128xf32, #tpu.memory_space<hbm>>, %arg3: memref<32x8x128xi32, #tpu.memory_space<hbm>>, %arg4: memref<32x8x128xi32, #tpu.memory_space<hbm>>, %arg5: memref<32768x128xf32, #tpu.memory_space<hbm>>, %arg6: memref<8x128xi32, #tpu.memory_space<vmem>>, %arg7: memref<8x128xi32, #tpu.memory_space<vmem>>, %arg8: memref<128x128xf32, #tpu.memory_space<vmem>>, %arg9: memref<128x128xf32, #tpu.memory_space<vmem>>, %arg10: memref<128x128xf32, #tpu.memory_space<vmem>>, %arg11: memref<128x128xf32, #tpu.memory_space<vmem>>, %arg12: memref<!tpu.dma_semaphore, #tpu.memory_space<semaphore_mem>>, %arg13: memref<!tpu.dma_semaphore, #tpu.memory_space<semaphore_mem>>) attributes {dimension_semantics = [#tpu.dimension_semantics<core_parallel>, #tpu.dimension_semantics<subcore_parallel>], iteration_bounds = array<i64: 2, 16>, scalar_prefetch = 0 : i64, scratch_operands = 8 : i64, tpu.core_type = #tpu.core_type<sc_vector_subcore>, window_params = [{transform_indices = #map}, {transform_indices = #map1}, {transform_indices = #map1}, {transform_indices = #map}]} {
    %mul3A = arith.constant 16 : i32
    %mul3A_0 = arith.muli %arg0, %mul3A : i32
    %add3A = arith.addi %mul3A_0, %arg1 : i32
    "tpu.region"() ({
      %run_scoped3A = tpu.sem_alloc : memref<!tpu.dma_semaphore, #tpu.memory_space<semaphore_mem>>
      %dma_start3A_84 = arith.constant 0 : i32
      %dma_start3A_85 = arith.constant 0 : i32
      %dma_start3A_86 = tpu.memref_slice %arg3[%add3A, %dma_start3A_84, %dma_start3A_85] : memref<32x8x128xi32, #tpu.memory_space<hbm>> -> memref<1x8x128xi32, #tpu.memory_space<hbm>>
      %dma_start3A_87 = tpu.memref_squeeze %dma_start3A_86 : memref<1x8x128xi32, #tpu.memory_space<hbm>> -> memref<8x128xi32, #tpu.memory_space<hbm>>
      %dma_start3A_88 = arith.constant 0 : i32
      %dma_start3A_89 = arith.constant 0 : i32
      %dma_start3A_90 = tpu.memref_slice %arg3[%add3A, %dma_start3A_88, %dma_start3A_89] : memref<32x8x128xi32, #tpu.memory_space<hbm>> -> memref<1x8x128xi32, #tpu.memory_space<hbm>>
      %dma_start3A_91 = tpu.memref_squeeze %dma_start3A_90 : memref<1x8x128xi32, #tpu.memory_space<hbm>> -> memref<8x128xi32, #tpu.memory_space<hbm>>
      tpu.enqueue_dma source(%dma_start3A_91 : memref<8x128xi32, #tpu.memory_space<hbm>>) target(%arg6 : memref<8x128xi32, #tpu.memory_space<vmem>>) target_semaphore(%run_scoped3A : memref<!tpu.dma_semaphore, #tpu.memory_space<semaphore_mem>>)
      %dma_wait3A_92 = arith.constant 0 : i32
      %dma_wait3A_93 = arith.constant 0 : i32
      %dma_wait3A_94 = tpu.memref_slice %arg3[%add3A, %dma_wait3A_92, %dma_wait3A_93] : memref<32x8x128xi32, #tpu.memory_space<hbm>> -> memref<1x8x128xi32, #tpu.memory_space<hbm>>
      %dma_wait3A_95 = tpu.memref_squeeze %dma_wait3A_94 : memref<1x8x128xi32, #tpu.memory_space<hbm>> -> memref<8x128xi32, #tpu.memory_space<hbm>>
      %dma_wait3A_96 = arith.constant 0 : i32
      %dma_wait3A_97 = arith.constant 0 : i32
      %dma_wait3A_98 = tpu.memref_slice %arg3[%add3A, %dma_wait3A_96, %dma_wait3A_97] : memref<32x8x128xi32, #tpu.memory_space<hbm>> -> memref<1x8x128xi32, #tpu.memory_space<hbm>>
      %dma_wait3A_99 = tpu.memref_squeeze %dma_wait3A_98 : memref<1x8x128xi32, #tpu.memory_space<hbm>> -> memref<8x128xi32, #tpu.memory_space<hbm>>
      tpu.wait_dma2 semaphore(%run_scoped3A : memref<!tpu.dma_semaphore, #tpu.memory_space<semaphore_mem>>) src(%dma_wait3A_99 : memref<8x128xi32, #tpu.memory_space<hbm>>) dst(%arg6 : memref<8x128xi32, #tpu.memory_space<vmem>>)
      tpu.yield
    }) : () -> ()
    "tpu.region"() ({
      %run_scoped3A = tpu.sem_alloc : memref<!tpu.dma_semaphore, #tpu.memory_space<semaphore_mem>>
      %dma_start3A_84 = arith.constant 0 : i32
      %dma_start3A_85 = arith.constant 0 : i32
      %dma_start3A_86 = tpu.memref_slice %arg4[%add3A, %dma_start3A_84, %dma_start3A_85] : memref<32x8x128xi32, #tpu.memory_space<hbm>> -> memref<1x8x128xi32, #tpu.memory_space<hbm>>
      %dma_start3A_87 = tpu.memref_squeeze %dma_start3A_86 : memref<1x8x128xi32, #tpu.memory_space<hbm>> -> memref<8x128xi32, #tpu.memory_space<hbm>>
      %dma_start3A_88 = arith.constant 0 : i32
      %dma_start3A_89 = arith.constant 0 : i32
      %dma_start3A_90 = tpu.memref_slice %arg4[%add3A, %dma_start3A_88, %dma_start3A_89] : memref<32x8x128xi32, #tpu.memory_space<hbm>> -> memref<1x8x128xi32, #tpu.memory_space<hbm>>
      %dma_start3A_91 = tpu.memref_squeeze %dma_start3A_90 : memref<1x8x128xi32, #tpu.memory_space<hbm>> -> memref<8x128xi32, #tpu.memory_space<hbm>>
      tpu.enqueue_dma source(%dma_start3A_91 : memref<8x128xi32, #tpu.memory_space<hbm>>) target(%arg7 : memref<8x128xi32, #tpu.memory_space<vmem>>) target_semaphore(%run_scoped3A : memref<!tpu.dma_semaphore, #tpu.memory_space<semaphore_mem>>)
      %dma_wait3A_92 = arith.constant 0 : i32
      %dma_wait3A_93 = arith.constant 0 : i32
      %dma_wait3A_94 = tpu.memref_slice %arg4[%add3A, %dma_wait3A_92, %dma_wait3A_93] : memref<32x8x128xi32, #tpu.memory_space<hbm>> -> memref<1x8x128xi32, #tpu.memory_space<hbm>>
      %dma_wait3A_95 = tpu.memref_squeeze %dma_wait3A_94 : memref<1x8x128xi32, #tpu.memory_space<hbm>> -> memref<8x128xi32, #tpu.memory_space<hbm>>
      %dma_wait3A_96 = arith.constant 0 : i32
      %dma_wait3A_97 = arith.constant 0 : i32
      %dma_wait3A_98 = tpu.memref_slice %arg4[%add3A, %dma_wait3A_96, %dma_wait3A_97] : memref<32x8x128xi32, #tpu.memory_space<hbm>> -> memref<1x8x128xi32, #tpu.memory_space<hbm>>
      %dma_wait3A_99 = tpu.memref_squeeze %dma_wait3A_98 : memref<1x8x128xi32, #tpu.memory_space<hbm>> -> memref<8x128xi32, #tpu.memory_space<hbm>>
      tpu.wait_dma2 semaphore(%run_scoped3A : memref<!tpu.dma_semaphore, #tpu.memory_space<semaphore_mem>>) src(%dma_wait3A_99 : memref<8x128xi32, #tpu.memory_space<hbm>>) dst(%arg7 : memref<8x128xi32, #tpu.memory_space<vmem>>)
      tpu.yield
    }) : () -> ()
    %dma_start3A = arith.constant 0 : i32
    %dma_start3A_1 = arith.constant 0 : i32
    %dma_start3A_2 = tpu.memref_slice %arg6[%dma_start3A, %dma_start3A_1] : memref<8x128xi32, #tpu.memory_space<vmem>> -> memref<1x128xi32, #tpu.memory_space<vmem>>
    %dma_start3A_3 = tpu.memref_squeeze %dma_start3A_2 : memref<1x128xi32, #tpu.memory_space<vmem>> -> memref<128xi32, #tpu.memory_space<vmem>>
    %dma_start3A_4 = arith.constant 0 : i32
    %dma_start3A_5 = arith.constant 0 : i32
    %dma_start3A_6 = tpu.memref_slice %arg2[%dma_start3A_4, %dma_start3A_5] : memref<10000x128xf32, #tpu.memory_space<hbm>> -> memref<10000x128xf32, #tpu.memory_space<hbm>>
    tpu.enqueue_indirect_dma source(%dma_start3A_6 : memref<10000x128xf32, #tpu.memory_space<hbm>>) target(%arg8 : memref<128x128xf32, #tpu.memory_space<vmem>>) offsets(%dma_start3A_3 : memref<128xi32, #tpu.memory_space<vmem>>) semaphore(%arg12 : memref<!tpu.dma_semaphore, #tpu.memory_space<semaphore_mem>>)
    %dma_start3A_7 = arith.constant 0 : i32
    %dma_start3A_8 = arith.constant 0 : i32
    %dma_start3A_9 = tpu.memref_slice %arg7[%dma_start3A_7, %dma_start3A_8] : memref<8x128xi32, #tpu.memory_space<vmem>> -> memref<1x128xi32, #tpu.memory_space<vmem>>
    %dma_start3A_10 = tpu.memref_squeeze %dma_start3A_9 : memref<1x128xi32, #tpu.memory_space<vmem>> -> memref<128xi32, #tpu.memory_space<vmem>>
    %dma_start3A_11 = arith.constant 0 : i32
    %dma_start3A_12 = arith.constant 0 : i32
    %dma_start3A_13 = tpu.memref_slice %arg2[%dma_start3A_11, %dma_start3A_12] : memref<10000x128xf32, #tpu.memory_space<hbm>> -> memref<10000x128xf32, #tpu.memory_space<hbm>>
    tpu.enqueue_indirect_dma source(%dma_start3A_13 : memref<10000x128xf32, #tpu.memory_space<hbm>>) target(%arg9 : memref<128x128xf32, #tpu.memory_space<vmem>>) offsets(%dma_start3A_10 : memref<128xi32, #tpu.memory_space<vmem>>) semaphore(%arg12 : memref<!tpu.dma_semaphore, #tpu.memory_space<semaphore_mem>>)
    %dma_start3A_14 = arith.constant 1 : i32
    %dma_start3A_15 = arith.constant 0 : i32
    %dma_start3A_16 = tpu.memref_slice %arg6[%dma_start3A_14, %dma_start3A_15] : memref<8x128xi32, #tpu.memory_space<vmem>> -> memref<1x128xi32, #tpu.memory_space<vmem>>
    %dma_start3A_17 = tpu.memref_squeeze %dma_start3A_16 : memref<1x128xi32, #tpu.memory_space<vmem>> -> memref<128xi32, #tpu.memory_space<vmem>>
    %dma_start3A_18 = arith.constant 0 : i32
    %dma_start3A_19 = arith.constant 0 : i32
    %dma_start3A_20 = tpu.memref_slice %arg2[%dma_start3A_18, %dma_start3A_19] : memref<10000x128xf32, #tpu.memory_space<hbm>> -> memref<10000x128xf32, #tpu.memory_space<hbm>>
    tpu.enqueue_indirect_dma source(%dma_start3A_20 : memref<10000x128xf32, #tpu.memory_space<hbm>>) target(%arg10 : memref<128x128xf32, #tpu.memory_space<vmem>>) offsets(%dma_start3A_17 : memref<128xi32, #tpu.memory_space<vmem>>) semaphore(%arg13 : memref<!tpu.dma_semaphore, #tpu.memory_space<semaphore_mem>>)
    %dma_start3A_21 = arith.constant 1 : i32
    %dma_start3A_22 = arith.constant 0 : i32
    %dma_start3A_23 = tpu.memref_slice %arg7[%dma_start3A_21, %dma_start3A_22] : memref<8x128xi32, #tpu.memory_space<vmem>> -> memref<1x128xi32, #tpu.memory_space<vmem>>
    %dma_start3A_24 = tpu.memref_squeeze %dma_start3A_23 : memref<1x128xi32, #tpu.memory_space<vmem>> -> memref<128xi32, #tpu.memory_space<vmem>>
    %dma_start3A_25 = arith.constant 0 : i32
    %dma_start3A_26 = arith.constant 0 : i32
    %dma_start3A_27 = tpu.memref_slice %arg2[%dma_start3A_25, %dma_start3A_26] : memref<10000x128xf32, #tpu.memory_space<hbm>> -> memref<10000x128xf32, #tpu.memory_space<hbm>>
    tpu.enqueue_indirect_dma source(%dma_start3A_27 : memref<10000x128xf32, #tpu.memory_space<hbm>>) target(%arg11 : memref<128x128xf32, #tpu.memory_space<vmem>>) offsets(%dma_start3A_24 : memref<128xi32, #tpu.memory_space<vmem>>) semaphore(%arg13 : memref<!tpu.dma_semaphore, #tpu.memory_space<semaphore_mem>>)
    %scan3A = arith.constant 0 : i32
    %scan3A_28 = arith.constant 0 : i32
    %scan3A_29 = arith.constant 3 : i32
    %scan3A_30 = arith.addi %scan3A_28, %scan3A_29 : i32
    %scan3A_31 = arith.constant 1 : i32
    scf.for %scan3A_84 = %scan3A_28 to %scan3A_30 step %scan3A_31  : i32 {
      %mul3A_85 = arith.constant 2 : i32
      %mul3A_86 = arith.muli %scan3A_84, %mul3A_85 : i32
      %add3A_87 = arith.constant 0 : i32
      %add3A_88 = arith.addi %mul3A_86, %add3A_87 : i32
      %dma_wait3A_89 = arith.constant 0 : i32
      %dma_wait3A_90 = tpu.memref_slice %arg6[%add3A_88, %dma_wait3A_89] : memref<8x128xi32, #tpu.memory_space<vmem>> -> memref<1x128xi32, #tpu.memory_space<vmem>>
      %dma_wait3A_91 = tpu.memref_squeeze %dma_wait3A_90 : memref<1x128xi32, #tpu.memory_space<vmem>> -> memref<128xi32, #tpu.memory_space<vmem>>
      %dma_wait3A_92 = arith.constant 0 : i32
      %dma_wait3A_93 = arith.constant 0 : i32
      %dma_wait3A_94 = tpu.memref_slice %arg2[%dma_wait3A_92, %dma_wait3A_93] : memref<10000x128xf32, #tpu.memory_space<hbm>> -> memref<10000x128xf32, #tpu.memory_space<hbm>>
      tpu.wait_indirect_dma semaphore(%arg12 : memref<!tpu.dma_semaphore, #tpu.memory_space<semaphore_mem>>) src(%dma_wait3A_94 : memref<10000x128xf32, #tpu.memory_space<hbm>>) dst(%arg8 : memref<128x128xf32, #tpu.memory_space<vmem>>)
      %dma_wait3A_95 = arith.constant 0 : i32
      %dma_wait3A_96 = tpu.memref_slice %arg7[%add3A_88, %dma_wait3A_95] : memref<8x128xi32, #tpu.memory_space<vmem>> -> memref<1x128xi32, #tpu.memory_space<vmem>>
      %dma_wait3A_97 = tpu.memref_squeeze %dma_wait3A_96 : memref<1x128xi32, #tpu.memory_space<vmem>> -> memref<128xi32, #tpu.memory_space<vmem>>
      %dma_wait3A_98 = arith.constant 0 : i32
      %dma_wait3A_99 = arith.constant 0 : i32
      %dma_wait3A_100 = tpu.memref_slice %arg2[%dma_wait3A_98, %dma_wait3A_99] : memref<10000x128xf32, #tpu.memory_space<hbm>> -> memref<10000x128xf32, #tpu.memory_space<hbm>>
      tpu.wait_indirect_dma semaphore(%arg12 : memref<!tpu.dma_semaphore, #tpu.memory_space<semaphore_mem>>) src(%dma_wait3A_100 : memref<10000x128xf32, #tpu.memory_space<hbm>>) dst(%arg9 : memref<128x128xf32, #tpu.memory_space<vmem>>)
      %scan3A_101 = arith.constant 0 : i32
      %scan3A_102 = arith.constant 0 : i32
      %scan3A_103 = arith.constant 128 : i32
      %scan3A_104 = arith.addi %scan3A_102, %scan3A_103 : i32
      %scan3A_105 = arith.constant 1 : i32
      scf.for %scan3A_167 = %scan3A_102 to %scan3A_104 step %scan3A_105  : i32 {
        %get3A = arith.index_cast %scan3A_167 : i32 to index
        %get3A_168 = arith.constant 0 : index
        %get3A_169 = tpu.vector_load %arg8[%get3A, %get3A_168] {strides = array<i32>} : memref<128x128xf32, #tpu.memory_space<vmem>>, vector<1x16xf32>,
        %get3A_170 = vector.shape_cast %get3A_169 : vector<1x16xf32> to vector<16xf32>
        %get3A_171 = arith.index_cast %scan3A_167 : i32 to index
        %get3A_172 = arith.constant 0 : index
        %get3A_173 = tpu.vector_load %arg9[%get3A_171, %get3A_172] {strides = array<i32>} : memref<128x128xf32, #tpu.memory_space<vmem>>, vector<1x16xf32>,
        %get3A_174 = vector.shape_cast %get3A_173 : vector<1x16xf32> to vector<16xf32>
        %mul3A_175 = arith.mulf %get3A_170, %get3A_174 : vector<16xf32>
        %swap3A = arith.index_cast %scan3A_167 : i32 to index
        %swap3A_176 = arith.constant 0 : index
        %swap3A_177 = tpu.vector_load %arg8[%swap3A, %swap3A_176] {strides = array<i32>} : memref<128x128xf32, #tpu.memory_space<vmem>>, vector<1x16xf32>,
        %swap3A_178 = vector.shape_cast %swap3A_177 : vector<1x16xf32> to vector<16xf32>
        %swap3A_179 = vector.shape_cast %mul3A_175 : vector<16xf32> to vector<1x16xf32>
        tpu.vector_store %arg8[%swap3A, %swap3A_176], %swap3A_179 {strides = array<i32>} : memref<128x128xf32, #tpu.memory_space<vmem>>, vector<1x16xf32>,
        %get3A_180 = arith.index_cast %scan3A_167 : i32 to index
        %get3A_181 = arith.constant 16 : index
        %get3A_182 = tpu.vector_load %arg8[%get3A_180, %get3A_181] {strides = array<i32>} : memref<128x128xf32, #tpu.memory_space<vmem>>, vector<1x16xf32>,
        %get3A_183 = vector.shape_cast %get3A_182 : vector<1x16xf32> to vector<16xf32>
        %get3A_184 = arith.index_cast %scan3A_167 : i32 to index
        %get3A_185 = arith.constant 16 : index
        %get3A_186 = tpu.vector_load %arg9[%get3A_184, %get3A_185] {strides = array<i32>} : memref<128x128xf32, #tpu.memory_space<vmem>>, vector<1x16xf32>,
        %get3A_187 = vector.shape_cast %get3A_186 : vector<1x16xf32> to vector<16xf32>
        %mul3A_188 = arith.mulf %get3A_183, %get3A_187 : vector<16xf32>
        %swap3A_189 = arith.index_cast %scan3A_167 : i32 to index
        %swap3A_190 = arith.constant 16 : index
        %swap3A_191 = tpu.vector_load %arg8[%swap3A_189, %swap3A_190] {strides = array<i32>} : memref<128x128xf32, #tpu.memory_space<vmem>>, vector<1x16xf32>,
        %swap3A_192 = vector.shape_cast %swap3A_191 : vector<1x16xf32> to vector<16xf32>
        %swap3A_193 = vector.shape_cast %mul3A_188 : vector<16xf32> to vector<1x16xf32>
        tpu.vector_store %arg8[%swap3A_189, %swap3A_190], %swap3A_193 {strides = array<i32>} : memref<128x128xf32, #tpu.memory_space<vmem>>, vector<1x16xf32>,
        %get3A_194 = arith.index_cast %scan3A_167 : i32 to index
        %get3A_195 = arith.constant 32 : index
        %get3A_196 = tpu.vector_load %arg8[%get3A_194, %get3A_195] {strides = array<i32>} : memref<128x128xf32, #tpu.memory_space<vmem>>, vector<1x16xf32>,
        %get3A_197 = vector.shape_cast %get3A_196 : vector<1x16xf32> to vector<16xf32>
        %get3A_198 = arith.index_cast %scan3A_167 : i32 to index
        %get3A_199 = arith.constant 32 : index
        %get3A_200 = tpu.vector_load %arg9[%get3A_198, %get3A_199] {strides = array<i32>} : memref<128x128xf32, #tpu.memory_space<vmem>>, vector<1x16xf32>,
        %get3A_201 = vector.shape_cast %get3A_200 : vector<1x16xf32> to vector<16xf32>
        %mul3A_202 = arith.mulf %get3A_197, %get3A_201 : vector<16xf32>
        %swap3A_203 = arith.index_cast %scan3A_167 : i32 to index
        %swap3A_204 = arith.constant 32 : index
        %swap3A_205 = tpu.vector_load %arg8[%swap3A_203, %swap3A_204] {strides = array<i32>} : memref<128x128xf32, #tpu.memory_space<vmem>>, vector<1x16xf32>,
        %swap3A_206 = vector.shape_cast %swap3A_205 : vector<1x16xf32> to vector<16xf32>
        %swap3A_207 = vector.shape_cast %mul3A_202 : vector<16xf32> to vector<1x16xf32>
        tpu.vector_store %arg8[%swap3A_203, %swap3A_204], %swap3A_207 {strides = array<i32>} : memref<128x128xf32, #tpu.memory_space<vmem>>, vector<1x16xf32>,
        %get3A_208 = arith.index_cast %scan3A_167 : i32 to index
        %get3A_209 = arith.constant 48 : index
        %get3A_210 = tpu.vector_load %arg8[%get3A_208, %get3A_209] {strides = array<i32>} : memref<128x128xf32, #tpu.memory_space<vmem>>, vector<1x16xf32>,
        %get3A_211 = vector.shape_cast %get3A_210 : vector<1x16xf32> to vector<16xf32>
        %get3A_212 = arith.index_cast %scan3A_167 : i32 to index
        %get3A_213 = arith.constant 48 : index
        %get3A_214 = tpu.vector_load %arg9[%get3A_212, %get3A_213] {strides = array<i32>} : memref<128x128xf32, #tpu.memory_space<vmem>>, vector<1x16xf32>,
        %get3A_215 = vector.shape_cast %get3A_214 : vector<1x16xf32> to vector<16xf32>
        %mul3A_216 = arith.mulf %get3A_211, %get3A_215 : vector<16xf32>
        %swap3A_217 = arith.index_cast %scan3A_167 : i32 to index
        %swap3A_218 = arith.constant 48 : index
        %swap3A_219 = tpu.vector_load %arg8[%swap3A_217, %swap3A_218] {strides = array<i32>} : memref<128x128xf32, #tpu.memory_space<vmem>>, vector<1x16xf32>,
        %swap3A_220 = vector.shape_cast %swap3A_219 : vector<1x16xf32> to vector<16xf32>
        %swap3A_221 = vector.shape_cast %mul3A_216 : vector<16xf32> to vector<1x16xf32>
        tpu.vector_store %arg8[%swap3A_217, %swap3A_218], %swap3A_221 {strides = array<i32>} : memref<128x128xf32, #tpu.memory_space<vmem>>, vector<1x16xf32>,
        %get3A_222 = arith.index_cast %scan3A_167 : i32 to index
        %get3A_223 = arith.constant 64 : index
        %get3A_224 = tpu.vector_load %arg8[%get3A_222, %get3A_223] {strides = array<i32>} : memref<128x128xf32, #tpu.memory_space<vmem>>, vector<1x16xf32>,
        %get3A_225 = vector.shape_cast %get3A_224 : vector<1x16xf32> to vector<16xf32>
        %get3A_226 = arith.index_cast %scan3A_167 : i32 to index
        %get3A_227 = arith.constant 64 : index
        %get3A_228 = tpu.vector_load %arg9[%get3A_226, %get3A_227] {strides = array<i32>} : memref<128x128xf32, #tpu.memory_space<vmem>>, vector<1x16xf32>,
        %get3A_229 = vector.shape_cast %get3A_228 : vector<1x16xf32> to vector<16xf32>
        %mul3A_230 = arith.mulf %get3A_225, %get3A_229 : vector<16xf32>
        %swap3A_231 = arith.index_cast %scan3A_167 : i32 to index
        %swap3A_232 = arith.constant 64 : index
        %swap3A_233 = tpu.vector_load %arg8[%swap3A_231, %swap3A_232] {strides = array<i32>} : memref<128x128xf32, #tpu.memory_space<vmem>>, vector<1x16xf32>,
        %swap3A_234 = vector.shape_cast %swap3A_233 : vector<1x16xf32> to vector<16xf32>
        %swap3A_235 = vector.shape_cast %mul3A_230 : vector<16xf32> to vector<1x16xf32>
        tpu.vector_store %arg8[%swap3A_231, %swap3A_232], %swap3A_235 {strides = array<i32>} : memref<128x128xf32, #tpu.memory_space<vmem>>, vector<1x16xf32>,
        %get3A_236 = arith.index_cast %scan3A_167 : i32 to index
        %get3A_237 = arith.constant 80 : index
        %get3A_238 = tpu.vector_load %arg8[%get3A_236, %get3A_237] {strides = array<i32>} : memref<128x128xf32, #tpu.memory_space<vmem>>, vector<1x16xf32>,
        %get3A_239 = vector.shape_cast %get3A_238 : vector<1x16xf32> to vector<16xf32>
        %get3A_240 = arith.index_cast %scan3A_167 : i32 to index
        %get3A_241 = arith.constant 80 : index
        %get3A_242 = tpu.vector_load %arg9[%get3A_240, %get3A_241] {strides = array<i32>} : memref<128x128xf32, #tpu.memory_space<vmem>>, vector<1x16xf32>,
        %get3A_243 = vector.shape_cast %get3A_242 : vector<1x16xf32> to vector<16xf32>
        %mul3A_244 = arith.mulf %get3A_239, %get3A_243 : vector<16xf32>
        %swap3A_245 = arith.index_cast %scan3A_167 : i32 to index
        %swap3A_246 = arith.constant 80 : index
        %swap3A_247 = tpu.vector_load %arg8[%swap3A_245, %swap3A_246] {strides = array<i32>} : memref<128x128xf32, #tpu.memory_space<vmem>>, vector<1x16xf32>,
        %swap3A_248 = vector.shape_cast %swap3A_247 : vector<1x16xf32> to vector<16xf32>
        %swap3A_249 = vector.shape_cast %mul3A_244 : vector<16xf32> to vector<1x16xf32>
        tpu.vector_store %arg8[%swap3A_245, %swap3A_246], %swap3A_249 {strides = array<i32>} : memref<128x128xf32, #tpu.memory_space<vmem>>, vector<1x16xf32>,
        %get3A_250 = arith.index_cast %scan3A_167 : i32 to index
        %get3A_251 = arith.constant 96 : index
        %get3A_252 = tpu.vector_load %arg8[%get3A_250, %get3A_251] {strides = array<i32>} : memref<128x128xf32, #tpu.memory_space<vmem>>, vector<1x16xf32>,
        %get3A_253 = vector.shape_cast %get3A_252 : vector<1x16xf32> to vector<16xf32>
        %get3A_254 = arith.index_cast %scan3A_167 : i32 to index
        %get3A_255 = arith.constant 96 : index
        %get3A_256 = tpu.vector_load %arg9[%get3A_254, %get3A_255] {strides = array<i32>} : memref<128x128xf32, #tpu.memory_space<vmem>>, vector<1x16xf32>,
        %get3A_257 = vector.shape_cast %get3A_256 : vector<1x16xf32> to vector<16xf32>
        %mul3A_258 = arith.mulf %get3A_253, %get3A_257 : vector<16xf32>
        %swap3A_259 = arith.index_cast %scan3A_167 : i32 to index
        %swap3A_260 = arith.constant 96 : index
        %swap3A_261 = tpu.vector_load %arg8[%swap3A_259, %swap3A_260] {strides = array<i32>} : memref<128x128xf32, #tpu.memory_space<vmem>>, vector<1x16xf32>,
        %swap3A_262 = vector.shape_cast %swap3A_261 : vector<1x16xf32> to vector<16xf32>
        %swap3A_263 = vector.shape_cast %mul3A_258 : vector<16xf32> to vector<1x16xf32>
        tpu.vector_store %arg8[%swap3A_259, %swap3A_260], %swap3A_263 {strides = array<i32>} : memref<128x128xf32, #tpu.memory_space<vmem>>, vector<1x16xf32>,
        %get3A_264 = arith.index_cast %scan3A_167 : i32 to index
        %get3A_265 = arith.constant 112 : index
        %get3A_266 = tpu.vector_load %arg8[%get3A_264, %get3A_265] {strides = array<i32>} : memref<128x128xf32, #tpu.memory_space<vmem>>, vector<1x16xf32>,
        %get3A_267 = vector.shape_cast %get3A_266 : vector<1x16xf32> to vector<16xf32>
        %get3A_268 = arith.index_cast %scan3A_167 : i32 to index
        %get3A_269 = arith.constant 112 : index
        %get3A_270 = tpu.vector_load %arg9[%get3A_268, %get3A_269] {strides = array<i32>} : memref<128x128xf32, #tpu.memory_space<vmem>>, vector<1x16xf32>,
        %get3A_271 = vector.shape_cast %get3A_270 : vector<1x16xf32> to vector<16xf32>
        %mul3A_272 = arith.mulf %get3A_267, %get3A_271 : vector<16xf32>
        %swap3A_273 = arith.index_cast %scan3A_167 : i32 to index
        %swap3A_274 = arith.constant 112 : index
        %swap3A_275 = tpu.vector_load %arg8[%swap3A_273, %swap3A_274] {strides = array<i32>} : memref<128x128xf32, #tpu.memory_space<vmem>>, vector<1x16xf32>,
        %swap3A_276 = vector.shape_cast %swap3A_275 : vector<1x16xf32> to vector<16xf32>
        %swap3A_277 = vector.shape_cast %mul3A_272 : vector<16xf32> to vector<1x16xf32>
        tpu.vector_store %arg8[%swap3A_273, %swap3A_274], %swap3A_277 {strides = array<i32>} : memref<128x128xf32, #tpu.memory_space<vmem>>, vector<1x16xf32>,
      }
      %scan3A_106 = arith.constant 128 : i32
      %mul3A_107 = arith.constant 8 : i32
      %mul3A_108 = arith.muli %add3A, %mul3A_107 : i32
      %add3A_109 = arith.addi %mul3A_108, %add3A_88 : i32
      %mul3A_110 = arith.constant 128 : i32
      %mul3A_111 = arith.muli %add3A_109, %mul3A_110 : i32
      "tpu.region"() ({
        %run_scoped3A = tpu.sem_alloc : memref<!tpu.dma_semaphore, #tpu.memory_space<semaphore_mem>>
        %dma_start3A_167 = arith.constant 0 : i32
        %dma_start3A_168 = tpu.memref_slice %arg5[%mul3A_111, %dma_start3A_167] : memref<32768x128xf32, #tpu.memory_space<hbm>> -> memref<128x128xf32, #tpu.memory_space<hbm>>
        %dma_start3A_169 = arith.constant 0 : i32
        %dma_start3A_170 = tpu.memref_slice %arg5[%mul3A_111, %dma_start3A_169] : memref<32768x128xf32, #tpu.memory_space<hbm>> -> memref<128x128xf32, #tpu.memory_space<hbm>>
        tpu.enqueue_dma source(%arg8 : memref<128x128xf32, #tpu.memory_space<vmem>>) target(%dma_start3A_170 : memref<128x128xf32, #tpu.memory_space<hbm>>) target_semaphore(%run_scoped3A : memref<!tpu.dma_semaphore, #tpu.memory_space<semaphore_mem>>)
        %dma_wait3A_171 = arith.constant 0 : i32
        %dma_wait3A_172 = tpu.memref_slice %arg5[%mul3A_111, %dma_wait3A_171] : memref<32768x128xf32, #tpu.memory_space<hbm>> -> memref<128x128xf32, #tpu.memory_space<hbm>>
        %dma_wait3A_173 = arith.constant 0 : i32
        %dma_wait3A_174 = tpu.memref_slice %arg5[%mul3A_111, %dma_wait3A_173] : memref<32768x128xf32, #tpu.memory_space<hbm>> -> memref<128x128xf32, #tpu.memory_space<hbm>>
        tpu.wait_dma2 semaphore(%run_scoped3A : memref<!tpu.dma_semaphore, #tpu.memory_space<semaphore_mem>>) src(%arg8 : memref<128x128xf32, #tpu.memory_space<vmem>>) dst(%dma_wait3A_174 : memref<128x128xf32, #tpu.memory_space<hbm>>)
        tpu.yield
      }) : () -> ()
      %add3A_112 = arith.constant 2 : i32
      %add3A_113 = arith.addi %add3A_88, %add3A_112 : i32
      %dma_start3A_114 = arith.constant 0 : i32
      %dma_start3A_115 = tpu.memref_slice %arg6[%add3A_113, %dma_start3A_114] : memref<8x128xi32, #tpu.memory_space<vmem>> -> memref<1x128xi32, #tpu.memory_space<vmem>>
      %dma_start3A_116 = tpu.memref_squeeze %dma_start3A_115 : memref<1x128xi32, #tpu.memory_space<vmem>> -> memref<128xi32, #tpu.memory_space<vmem>>
      %dma_start3A_117 = arith.constant 0 : i32
      %dma_start3A_118 = arith.constant 0 : i32
      %dma_start3A_119 = tpu.memref_slice %arg2[%dma_start3A_117, %dma_start3A_118] : memref<10000x128xf32, #tpu.memory_space<hbm>> -> memref<10000x128xf32, #tpu.memory_space<hbm>>
      tpu.enqueue_indirect_dma source(%dma_start3A_119 : memref<10000x128xf32, #tpu.memory_space<hbm>>) target(%arg8 : memref<128x128xf32, #tpu.memory_space<vmem>>) offsets(%dma_start3A_116 : memref<128xi32, #tpu.memory_space<vmem>>) semaphore(%arg12 : memref<!tpu.dma_semaphore, #tpu.memory_space<semaphore_mem>>)
      %dma_start3A_120 = arith.constant 0 : i32
      %dma_start3A_121 = tpu.memref_slice %arg7[%add3A_113, %dma_start3A_120] : memref<8x128xi32, #tpu.memory_space<vmem>> -> memref<1x128xi32, #tpu.memory_space<vmem>>
      %dma_start3A_122 = tpu.memref_squeeze %dma_start3A_121 : memref<1x128xi32, #tpu.memory_space<vmem>> -> memref<128xi32, #tpu.memory_space<vmem>>
      %dma_start3A_123 = arith.constant 0 : i32
      %dma_start3A_124 = arith.constant 0 : i32
      %dma_start3A_125 = tpu.memref_slice %arg2[%dma_start3A_123, %dma_start3A_124] : memref<10000x128xf32, #tpu.memory_space<hbm>> -> memref<10000x128xf32, #tpu.memory_space<hbm>>
      tpu.enqueue_indirect_dma source(%dma_start3A_125 : memref<10000x128xf32, #tpu.memory_space<hbm>>) target(%arg9 : memref<128x128xf32, #tpu.memory_space<vmem>>) offsets(%dma_start3A_122 : memref<128xi32, #tpu.memory_space<vmem>>) semaphore(%arg12 : memref<!tpu.dma_semaphore, #tpu.memory_space<semaphore_mem>>)
      %mul3A_126 = arith.constant 2 : i32
      %mul3A_127 = arith.muli %scan3A_84, %mul3A_126 : i32
      %add3A_128 = arith.constant 1 : i32
      %add3A_129 = arith.addi %mul3A_127, %add3A_128 : i32
      %dma_wait3A_130 = arith.constant 0 : i32
      %dma_wait3A_131 = tpu.memref_slice %arg6[%add3A_129, %dma_wait3A_130] : memref<8x128xi32, #tpu.memory_space<vmem>> -> memref<1x128xi32, #tpu.memory_space<vmem>>
      %dma_wait3A_132 = tpu.memref_squeeze %dma_wait3A_131 : memref<1x128xi32, #tpu.memory_space<vmem>> -> memref<128xi32, #tpu.memory_space<vmem>>
      %dma_wait3A_133 = arith.constant 0 : i32
      %dma_wait3A_134 = arith.constant 0 : i32
      %dma_wait3A_135 = tpu.memref_slice %arg2[%dma_wait3A_133, %dma_wait3A_134] : memref<10000x128xf32, #tpu.memory_space<hbm>> -> memref<10000x128xf32, #tpu.memory_space<hbm>>
      tpu.wait_indirect_dma semaphore(%arg13 : memref<!tpu.dma_semaphore, #tpu.memory_space<semaphore_mem>>) src(%dma_wait3A_135 : memref<10000x128xf32, #tpu.memory_space<hbm>>) dst(%arg10 : memref<128x128xf32, #tpu.memory_space<vmem>>)
      %dma_wait3A_136 = arith.constant 0 : i32
      %dma_wait3A_137 = tpu.memref_slice %arg7[%add3A_129, %dma_wait3A_136] : memref<8x128xi32, #tpu.memory_space<vmem>> -> memref<1x128xi32, #tpu.memory_space<vmem>>
      %dma_wait3A_138 = tpu.memref_squeeze %dma_wait3A_137 : memref<1x128xi32, #tpu.memory_space<vmem>> -> memref<128xi32, #tpu.memory_space<vmem>>
      %dma_wait3A_139 = arith.constant 0 : i32
      %dma_wait3A_140 = arith.constant 0 : i32
      %dma_wait3A_141 = tpu.memref_slice %arg2[%dma_wait3A_139, %dma_wait3A_140] : memref<10000x128xf32, #tpu.memory_space<hbm>> -> memref<10000x128xf32, #tpu.memory_space<hbm>>
      tpu.wait_indirect_dma semaphore(%arg13 : memref<!tpu.dma_semaphore, #tpu.memory_space<semaphore_mem>>) src(%dma_wait3A_141 : memref<10000x128xf32, #tpu.memory_space<hbm>>) dst(%arg11 : memref<128x128xf32, #tpu.memory_space<vmem>>)
      %scan3A_142 = arith.constant 0 : i32
      %scan3A_143 = arith.constant 0 : i32
      %scan3A_144 = arith.constant 128 : i32
      %scan3A_145 = arith.addi %scan3A_143, %scan3A_144 : i32
      %scan3A_146 = arith.constant 1 : i32
      scf.for %scan3A_167 = %scan3A_143 to %scan3A_145 step %scan3A_146  : i32 {
        %get3A = arith.index_cast %scan3A_167 : i32 to index
        %get3A_168 = arith.constant 0 : index
        %get3A_169 = tpu.vector_load %arg10[%get3A, %get3A_168] {strides = array<i32>} : memref<128x128xf32, #tpu.memory_space<vmem>>, vector<1x16xf32>,
        %get3A_170 = vector.shape_cast %get3A_169 : vector<1x16xf32> to vector<16xf32>
        %get3A_171 = arith.index_cast %scan3A_167 : i32 to index
        %get3A_172 = arith.constant 0 : index
        %get3A_173 = tpu.vector_load %arg11[%get3A_171, %get3A_172] {strides = array<i32>} : memref<128x128xf32, #tpu.memory_space<vmem>>, vector<1x16xf32>,
        %get3A_174 = vector.shape_cast %get3A_173 : vector<1x16xf32> to vector<16xf32>
        %mul3A_175 = arith.mulf %get3A_170, %get3A_174 : vector<16xf32>
        %swap3A = arith.index_cast %scan3A_167 : i32 to index
        %swap3A_176 = arith.constant 0 : index
        %swap3A_177 = tpu.vector_load %arg10[%swap3A, %swap3A_176] {strides = array<i32>} : memref<128x128xf32, #tpu.memory_space<vmem>>, vector<1x16xf32>,
        %swap3A_178 = vector.shape_cast %swap3A_177 : vector<1x16xf32> to vector<16xf32>
        %swap3A_179 = vector.shape_cast %mul3A_175 : vector<16xf32> to vector<1x16xf32>
        tpu.vector_store %arg10[%swap3A, %swap3A_176], %swap3A_179 {strides = array<i32>} : memref<128x128xf32, #tpu.memory_space<vmem>>, vector<1x16xf32>,
        %get3A_180 = arith.index_cast %scan3A_167 : i32 to index
        %get3A_181 = arith.constant 16 : index
        %get3A_182 = tpu.vector_load %arg10[%get3A_180, %get3A_181] {strides = array<i32>} : memref<128x128xf32, #tpu.memory_space<vmem>>, vector<1x16xf32>,
        %get3A_183 = vector.shape_cast %get3A_182 : vector<1x16xf32> to vector<16xf32>
        %get3A_184 = arith.index_cast %scan3A_167 : i32 to index
        %get3A_185 = arith.constant 16 : index
        %get3A_186 = tpu.vector_load %arg11[%get3A_184, %get3A_185] {strides = array<i32>} : memref<128x128xf32, #tpu.memory_space<vmem>>, vector<1x16xf32>,
        %get3A_187 = vector.shape_cast %get3A_186 : vector<1x16xf32> to vector<16xf32>
        %mul3A_188 = arith.mulf %get3A_183, %get3A_187 : vector<16xf32>
        %swap3A_189 = arith.index_cast %scan3A_167 : i32 to index
        %swap3A_190 = arith.constant 16 : index
        %swap3A_191 = tpu.vector_load %arg10[%swap3A_189, %swap3A_190] {strides = array<i32>} : memref<128x128xf32, #tpu.memory_space<vmem>>, vector<1x16xf32>,
        %swap3A_192 = vector.shape_cast %swap3A_191 : vector<1x16xf32> to vector<16xf32>
        %swap3A_193 = vector.shape_cast %mul3A_188 : vector<16xf32> to vector<1x16xf32>
        tpu.vector_store %arg10[%swap3A_189, %swap3A_190], %swap3A_193 {strides = array<i32>} : memref<128x128xf32, #tpu.memory_space<vmem>>, vector<1x16xf32>,
        %get3A_194 = arith.index_cast %scan3A_167 : i32 to index
        %get3A_195 = arith.constant 32 : index
        %get3A_196 = tpu.vector_load %arg10[%get3A_194, %get3A_195] {strides = array<i32>} : memref<128x128xf32, #tpu.memory_space<vmem>>, vector<1x16xf32>,
        %get3A_197 = vector.shape_cast %get3A_196 : vector<1x16xf32> to vector<16xf32>
        %get3A_198 = arith.index_cast %scan3A_167 : i32 to index
        %get3A_199 = arith.constant 32 : index
        %get3A_200 = tpu.vector_load %arg11[%get3A_198, %get3A_199] {strides = array<i32>} : memref<128x128xf32, #tpu.memory_space<vmem>>, vector<1x16xf32>,
        %get3A_201 = vector.shape_cast %get3A_200 : vector<1x16xf32> to vector<16xf32>
        %mul3A_202 = arith.mulf %get3A_197, %get3A_201 : vector<16xf32>
        %swap3A_203 = arith.index_cast %scan3A_167 : i32 to index
        %swap3A_204 = arith.constant 32 : index
        %swap3A_205 = tpu.vector_load %arg10[%swap3A_203, %swap3A_204] {strides = array<i32>} : memref<128x128xf32, #tpu.memory_space<vmem>>, vector<1x16xf32>,
        %swap3A_206 = vector.shape_cast %swap3A_205 : vector<1x16xf32> to vector<16xf32>
        %swap3A_207 = vector.shape_cast %mul3A_202 : vector<16xf32> to vector<1x16xf32>
        tpu.vector_store %arg10[%swap3A_203, %swap3A_204], %swap3A_207 {strides = array<i32>} : memref<128x128xf32, #tpu.memory_space<vmem>>, vector<1x16xf32>,
        %get3A_208 = arith.index_cast %scan3A_167 : i32 to index
        %get3A_209 = arith.constant 48 : index
        %get3A_210 = tpu.vector_load %arg10[%get3A_208, %get3A_209] {strides = array<i32>} : memref<128x128xf32, #tpu.memory_space<vmem>>, vector<1x16xf32>,
        %get3A_211 = vector.shape_cast %get3A_210 : vector<1x16xf32> to vector<16xf32>
        %get3A_212 = arith.index_cast %scan3A_167 : i32 to index
        %get3A_213 = arith.constant 48 : index
        %get3A_214 = tpu.vector_load %arg11[%get3A_212, %get3A_213] {strides = array<i32>} : memref<128x128xf32, #tpu.memory_space<vmem>>, vector<1x16xf32>,
        %get3A_215 = vector.shape_cast %get3A_214 : vector<1x16xf32> to vector<16xf32>
        %mul3A_216 = arith.mulf %get3A_211, %get3A_215 : vector<16xf32>
        %swap3A_217 = arith.index_cast %scan3A_167 : i32 to index
        %swap3A_218 = arith.constant 48 : index
        %swap3A_219 = tpu.vector_load %arg10[%swap3A_217, %swap3A_218] {strides = array<i32>} : memref<128x128xf32, #tpu.memory_space<vmem>>, vector<1x16xf32>,
        %swap3A_220 = vector.shape_cast %swap3A_219 : vector<1x16xf32> to vector<16xf32>
        %swap3A_221 = vector.shape_cast %mul3A_216 : vector<16xf32> to vector<1x16xf32>
        tpu.vector_store %arg10[%swap3A_217, %swap3A_218], %swap3A_221 {strides = array<i32>} : memref<128x128xf32, #tpu.memory_space<vmem>>, vector<1x16xf32>,
        %get3A_222 = arith.index_cast %scan3A_167 : i32 to index
        %get3A_223 = arith.constant 64 : index
        %get3A_224 = tpu.vector_load %arg10[%get3A_222, %get3A_223] {strides = array<i32>} : memref<128x128xf32, #tpu.memory_space<vmem>>, vector<1x16xf32>,
        %get3A_225 = vector.shape_cast %get3A_224 : vector<1x16xf32> to vector<16xf32>
        %get3A_226 = arith.index_cast %scan3A_167 : i32 to index
        %get3A_227 = arith.constant 64 : index
        %get3A_228 = tpu.vector_load %arg11[%get3A_226, %get3A_227] {strides = array<i32>} : memref<128x128xf32, #tpu.memory_space<vmem>>, vector<1x16xf32>,
        %get3A_229 = vector.shape_cast %get3A_228 : vector<1x16xf32> to vector<16xf32>
        %mul3A_230 = arith.mulf %get3A_225, %get3A_229 : vector<16xf32>
        %swap3A_231 = arith.index_cast %scan3A_167 : i32 to index
        %swap3A_232 = arith.constant 64 : index
        %swap3A_233 = tpu.vector_load %arg10[%swap3A_231, %swap3A_232] {strides = array<i32>} : memref<128x128xf32, #tpu.memory_space<vmem>>, vector<1x16xf32>,
        %swap3A_234 = vector.shape_cast %swap3A_233 : vector<1x16xf32> to vector<16xf32>
        %swap3A_235 = vector.shape_cast %mul3A_230 : vector<16xf32> to vector<1x16xf32>
        tpu.vector_store %arg10[%swap3A_231, %swap3A_232], %swap3A_235 {strides = array<i32>} : memref<128x128xf32, #tpu.memory_space<vmem>>, vector<1x16xf32>,
        %get3A_236 = arith.index_cast %scan3A_167 : i32 to index
        %get3A_237 = arith.constant 80 : index
        %get3A_238 = tpu.vector_load %arg10[%get3A_236, %get3A_237] {strides = array<i32>} : memref<128x128xf32, #tpu.memory_space<vmem>>, vector<1x16xf32>,
        %get3A_239 = vector.shape_cast %get3A_238 : vector<1x16xf32> to vector<16xf32>
        %get3A_240 = arith.index_cast %scan3A_167 : i32 to index
        %get3A_241 = arith.constant 80 : index
        %get3A_242 = tpu.vector_load %arg11[%get3A_240, %get3A_241] {strides = array<i32>} : memref<128x128xf32, #tpu.memory_space<vmem>>, vector<1x16xf32>,
        %get3A_243 = vector.shape_cast %get3A_242 : vector<1x16xf32> to vector<16xf32>
        %mul3A_244 = arith.mulf %get3A_239, %get3A_243 : vector<16xf32>
        %swap3A_245 = arith.index_cast %scan3A_167 : i32 to index
        %swap3A_246 = arith.constant 80 : index
        %swap3A_247 = tpu.vector_load %arg10[%swap3A_245, %swap3A_246] {strides = array<i32>} : memref<128x128xf32, #tpu.memory_space<vmem>>, vector<1x16xf32>,
        %swap3A_248 = vector.shape_cast %swap3A_247 : vector<1x16xf32> to vector<16xf32>
        %swap3A_249 = vector.shape_cast %mul3A_244 : vector<16xf32> to vector<1x16xf32>
        tpu.vector_store %arg10[%swap3A_245, %swap3A_246], %swap3A_249 {strides = array<i32>} : memref<128x128xf32, #tpu.memory_space<vmem>>, vector<1x16xf32>,
        %get3A_250 = arith.index_cast %scan3A_167 : i32 to index
        %get3A_251 = arith.constant 96 : index
        %get3A_252 = tpu.vector_load %arg10[%get3A_250, %get3A_251] {strides = array<i32>} : memref<128x128xf32, #tpu.memory_space<vmem>>, vector<1x16xf32>,
        %get3A_253 = vector.shape_cast %get3A_252 : vector<1x16xf32> to vector<16xf32>
        %get3A_254 = arith.index_cast %scan3A_167 : i32 to index
        %get3A_255 = arith.constant 96 : index
        %get3A_256 = tpu.vector_load %arg11[%get3A_254, %get3A_255] {strides = array<i32>} : memref<128x128xf32, #tpu.memory_space<vmem>>, vector<1x16xf32>,
        %get3A_257 = vector.shape_cast %get3A_256 : vector<1x16xf32> to vector<16xf32>
        %mul3A_258 = arith.mulf %get3A_253, %get3A_257 : vector<16xf32>
        %swap3A_259 = arith.index_cast %scan3A_167 : i32 to index
        %swap3A_260 = arith.constant 96 : index
        %swap3A_261 = tpu.vector_load %arg10[%swap3A_259, %swap3A_260] {strides = array<i32>} : memref<128x128xf32, #tpu.memory_space<vmem>>, vector<1x16xf32>,
        %swap3A_262 = vector.shape_cast %swap3A_261 : vector<1x16xf32> to vector<16xf32>
        %swap3A_263 = vector.shape_cast %mul3A_258 : vector<16xf32> to vector<1x16xf32>
        tpu.vector_store %arg10[%swap3A_259, %swap3A_260], %swap3A_263 {strides = array<i32>} : memref<128x128xf32, #tpu.memory_space<vmem>>, vector<1x16xf32>,
        %get3A_264 = arith.index_cast %scan3A_167 : i32 to index
        %get3A_265 = arith.constant 112 : index
        %get3A_266 = tpu.vector_load %arg10[%get3A_264, %get3A_265] {strides = array<i32>} : memref<128x128xf32, #tpu.memory_space<vmem>>, vector<1x16xf32>,
        %get3A_267 = vector.shape_cast %get3A_266 : vector<1x16xf32> to vector<16xf32>
        %get3A_268 = arith.index_cast %scan3A_167 : i32 to index
        %get3A_269 = arith.constant 112 : index
        %get3A_270 = tpu.vector_load %arg11[%get3A_268, %get3A_269] {strides = array<i32>} : memref<128x128xf32, #tpu.memory_space<vmem>>, vector<1x16xf32>,
        %get3A_271 = vector.shape_cast %get3A_270 : vector<1x16xf32> to vector<16xf32>
        %mul3A_272 = arith.mulf %get3A_267, %get3A_271 : vector<16xf32>
        %swap3A_273 = arith.index_cast %scan3A_167 : i32 to index
        %swap3A_274 = arith.constant 112 : index
        %swap3A_275 = tpu.vector_load %arg10[%swap3A_273, %swap3A_274] {strides = array<i32>} : memref<128x128xf32, #tpu.memory_space<vmem>>, vector<1x16xf32>,
        %swap3A_276 = vector.shape_cast %swap3A_275 : vector<1x16xf32> to vector<16xf32>
        %swap3A_277 = vector.shape_cast %mul3A_272 : vector<16xf32> to vector<1x16xf32>
        tpu.vector_store %arg10[%swap3A_273, %swap3A_274], %swap3A_277 {strides = array<i32>} : memref<128x128xf32, #tpu.memory_space<vmem>>, vector<1x16xf32>,
      }
      %scan3A_147 = arith.constant 128 : i32
      %mul3A_148 = arith.constant 8 : i32
      %mul3A_149 = arith.muli %add3A, %mul3A_148 : i32
      %add3A_150 = arith.addi %mul3A_149, %add3A_129 : i32
      %mul3A_151 = arith.constant 128 : i32
      %mul3A_152 = arith.muli %add3A_150, %mul3A_151 : i32
      "tpu.region"() ({
        %run_scoped3A = tpu.sem_alloc : memref<!tpu.dma_semaphore, #tpu.memory_space<semaphore_mem>>
        %dma_start3A_167 = arith.constant 0 : i32
        %dma_start3A_168 = tpu.memref_slice %arg5[%mul3A_152, %dma_start3A_167] : memref<32768x128xf32, #tpu.memory_space<hbm>> -> memref<128x128xf32, #tpu.memory_space<hbm>>
        %dma_start3A_169 = arith.constant 0 : i32
        %dma_start3A_170 = tpu.memref_slice %arg5[%mul3A_152, %dma_start3A_169] : memref<32768x128xf32, #tpu.memory_space<hbm>> -> memref<128x128xf32, #tpu.memory_space<hbm>>
        tpu.enqueue_dma source(%arg10 : memref<128x128xf32, #tpu.memory_space<vmem>>) target(%dma_start3A_170 : memref<128x128xf32, #tpu.memory_space<hbm>>) target_semaphore(%run_scoped3A : memref<!tpu.dma_semaphore, #tpu.memory_space<semaphore_mem>>)
        %dma_wait3A_171 = arith.constant 0 : i32
        %dma_wait3A_172 = tpu.memref_slice %arg5[%mul3A_152, %dma_wait3A_171] : memref<32768x128xf32, #tpu.memory_space<hbm>> -> memref<128x128xf32, #tpu.memory_space<hbm>>
        %dma_wait3A_173 = arith.constant 0 : i32
        %dma_wait3A_174 = tpu.memref_slice %arg5[%mul3A_152, %dma_wait3A_173] : memref<32768x128xf32, #tpu.memory_space<hbm>> -> memref<128x128xf32, #tpu.memory_space<hbm>>
        tpu.wait_dma2 semaphore(%run_scoped3A : memref<!tpu.dma_semaphore, #tpu.memory_space<semaphore_mem>>) src(%arg10 : memref<128x128xf32, #tpu.memory_space<vmem>>) dst(%dma_wait3A_174 : memref<128x128xf32, #tpu.memory_space<hbm>>)
        tpu.yield
      }) : () -> ()
      %add3A_153 = arith.constant 2 : i32
      %add3A_154 = arith.addi %add3A_129, %add3A_153 : i32
      %dma_start3A_155 = arith.constant 0 : i32
      %dma_start3A_156 = tpu.memref_slice %arg6[%add3A_154, %dma_start3A_155] : memref<8x128xi32, #tpu.memory_space<vmem>> -> memref<1x128xi32, #tpu.memory_space<vmem>>
      %dma_start3A_157 = tpu.memref_squeeze %dma_start3A_156 : memref<1x128xi32, #tpu.memory_space<vmem>> -> memref<128xi32, #tpu.memory_space<vmem>>
      %dma_start3A_158 = arith.constant 0 : i32
      %dma_start3A_159 = arith.constant 0 : i32
      %dma_start3A_160 = tpu.memref_slice %arg2[%dma_start3A_158, %dma_start3A_159] : memref<10000x128xf32, #tpu.memory_space<hbm>> -> memref<10000x128xf32, #tpu.memory_space<hbm>>
      tpu.enqueue_indirect_dma source(%dma_start3A_160 : memref<10000x128xf32, #tpu.memory_space<hbm>>) target(%arg10 : memref<128x128xf32, #tpu.memory_space<vmem>>) offsets(%dma_start3A_157 : memref<128xi32, #tpu.memory_space<vmem>>) semaphore(%arg13 : memref<!tpu.dma_semaphore, #tpu.memory_space<semaphore_mem>>)
      %dma_start3A_161 = arith.constant 0 : i32
      %dma_start3A_162 = tpu.memref_slice %arg7[%add3A_154, %dma_start3A_161] : memref<8x128xi32, #tpu.memory_space<vmem>> -> memref<1x128xi32, #tpu.memory_space<vmem>>
      %dma_start3A_163 = tpu.memref_squeeze %dma_start3A_162 : memref<1x128xi32, #tpu.memory_space<vmem>> -> memref<128xi32, #tpu.memory_space<vmem>>
      %dma_start3A_164 = arith.constant 0 : i32
      %dma_start3A_165 = arith.constant 0 : i32
      %dma_start3A_166 = tpu.memref_slice %arg2[%dma_start3A_164, %dma_start3A_165] : memref<10000x128xf32, #tpu.memory_space<hbm>> -> memref<10000x128xf32, #tpu.memory_space<hbm>>
      tpu.enqueue_indirect_dma source(%dma_start3A_166 : memref<10000x128xf32, #tpu.memory_space<hbm>>) target(%arg11 : memref<128x128xf32, #tpu.memory_space<vmem>>) offsets(%dma_start3A_163 : memref<128xi32, #tpu.memory_space<vmem>>) semaphore(%arg13 : memref<!tpu.dma_semaphore, #tpu.memory_space<semaphore_mem>>)
    }
    %scan3A_32 = arith.constant 3 : i32
    %dma_wait3A = arith.constant 6 : i32
    %dma_wait3A_33 = arith.constant 0 : i32
    %dma_wait3A_34 = tpu.memref_slice %arg6[%dma_wait3A, %dma_wait3A_33] : memref<8x128xi32, #tpu.memory_space<vmem>> -> memref<1x128xi32, #tpu.memory_space<vmem>>
    %dma_wait3A_35 = tpu.memref_squeeze %dma_wait3A_34 : memref<1x128xi32, #tpu.memory_space<vmem>> -> memref<128xi32, #tpu.memory_space<vmem>>
    %dma_wait3A_36 = arith.constant 0 : i32
    %dma_wait3A_37 = arith.constant 0 : i32
    %dma_wait3A_38 = tpu.memref_slice %arg2[%dma_wait3A_36, %dma_wait3A_37] : memref<10000x128xf32, #tpu.memory_space<hbm>> -> memref<10000x128xf32, #tpu.memory_space<hbm>>
    tpu.wait_indirect_dma semaphore(%arg12 : memref<!tpu.dma_semaphore, #tpu.memory_space<semaphore_mem>>) src(%dma_wait3A_38 : memref<10000x128xf32, #tpu.memory_space<hbm>>) dst(%arg8 : memref<128x128xf32, #tpu.memory_space<vmem>>)
    %dma_wait3A_39 = arith.constant 6 : i32
    %dma_wait3A_40 = arith.constant 0 : i32
    %dma_wait3A_41 = tpu.memref_slice %arg7[%dma_wait3A_39, %dma_wait3A_40] : memref<8x128xi32, #tpu.memory_space<vmem>> -> memref<1x128xi32, #tpu.memory_space<vmem>>
    %dma_wait3A_42 = tpu.memref_squeeze %dma_wait3A_41 : memref<1x128xi32, #tpu.memory_space<vmem>> -> memref<128xi32, #tpu.memory_space<vmem>>
    %dma_wait3A_43 = arith.constant 0 : i32
    %dma_wait3A_44 = arith.constant 0 : i32
    %dma_wait3A_45 = tpu.memref_slice %arg2[%dma_wait3A_43, %dma_wait3A_44] : memref<10000x128xf32, #tpu.memory_space<hbm>> -> memref<10000x128xf32, #tpu.memory_space<hbm>>
    tpu.wait_indirect_dma semaphore(%arg12 : memref<!tpu.dma_semaphore, #tpu.memory_space<semaphore_mem>>) src(%dma_wait3A_45 : memref<10000x128xf32, #tpu.memory_space<hbm>>) dst(%arg9 : memref<128x128xf32, #tpu.memory_space<vmem>>)
    %scan3A_46 = arith.constant 0 : i32
    %scan3A_47 = arith.constant 0 : i32
    %scan3A_48 = arith.constant 128 : i32
    %scan3A_49 = arith.addi %scan3A_47, %scan3A_48 : i32
    %scan3A_50 = arith.constant 1 : i32
    scf.for %scan3A_84 = %scan3A_47 to %scan3A_49 step %scan3A_50  : i32 {
      %get3A = arith.index_cast %scan3A_84 : i32 to index
      %get3A_85 = arith.constant 0 : index
      %get3A_86 = tpu.vector_load %arg8[%get3A, %get3A_85] {strides = array<i32>} : memref<128x128xf32, #tpu.memory_space<vmem>>, vector<1x16xf32>,
      %get3A_87 = vector.shape_cast %get3A_86 : vector<1x16xf32> to vector<16xf32>
      %get3A_88 = arith.index_cast %scan3A_84 : i32 to index
      %get3A_89 = arith.constant 0 : index
      %get3A_90 = tpu.vector_load %arg9[%get3A_88, %get3A_89] {strides = array<i32>} : memref<128x128xf32, #tpu.memory_space<vmem>>, vector<1x16xf32>,
      %get3A_91 = vector.shape_cast %get3A_90 : vector<1x16xf32> to vector<16xf32>
      %mul3A_92 = arith.mulf %get3A_87, %get3A_91 : vector<16xf32>
      %swap3A = arith.index_cast %scan3A_84 : i32 to index
      %swap3A_93 = arith.constant 0 : index
      %swap3A_94 = tpu.vector_load %arg8[%swap3A, %swap3A_93] {strides = array<i32>} : memref<128x128xf32, #tpu.memory_space<vmem>>, vector<1x16xf32>,
      %swap3A_95 = vector.shape_cast %swap3A_94 : vector<1x16xf32> to vector<16xf32>
      %swap3A_96 = vector.shape_cast %mul3A_92 : vector<16xf32> to vector<1x16xf32>
      tpu.vector_store %arg8[%swap3A, %swap3A_93], %swap3A_96 {strides = array<i32>} : memref<128x128xf32, #tpu.memory_space<vmem>>, vector<1x16xf32>,
      %get3A_97 = arith.index_cast %scan3A_84 : i32 to index
      %get3A_98 = arith.constant 16 : index
      %get3A_99 = tpu.vector_load %arg8[%get3A_97, %get3A_98] {strides = array<i32>} : memref<128x128xf32, #tpu.memory_space<vmem>>, vector<1x16xf32>,
      %get3A_100 = vector.shape_cast %get3A_99 : vector<1x16xf32> to vector<16xf32>
      %get3A_101 = arith.index_cast %scan3A_84 : i32 to index
      %get3A_102 = arith.constant 16 : index
      %get3A_103 = tpu.vector_load %arg9[%get3A_101, %get3A_102] {strides = array<i32>} : memref<128x128xf32, #tpu.memory_space<vmem>>, vector<1x16xf32>,
      %get3A_104 = vector.shape_cast %get3A_103 : vector<1x16xf32> to vector<16xf32>
      %mul3A_105 = arith.mulf %get3A_100, %get3A_104 : vector<16xf32>
      %swap3A_106 = arith.index_cast %scan3A_84 : i32 to index
      %swap3A_107 = arith.constant 16 : index
      %swap3A_108 = tpu.vector_load %arg8[%swap3A_106, %swap3A_107] {strides = array<i32>} : memref<128x128xf32, #tpu.memory_space<vmem>>, vector<1x16xf32>,
      %swap3A_109 = vector.shape_cast %swap3A_108 : vector<1x16xf32> to vector<16xf32>
      %swap3A_110 = vector.shape_cast %mul3A_105 : vector<16xf32> to vector<1x16xf32>
      tpu.vector_store %arg8[%swap3A_106, %swap3A_107], %swap3A_110 {strides = array<i32>} : memref<128x128xf32, #tpu.memory_space<vmem>>, vector<1x16xf32>,
      %get3A_111 = arith.index_cast %scan3A_84 : i32 to index
      %get3A_112 = arith.constant 32 : index
      %get3A_113 = tpu.vector_load %arg8[%get3A_111, %get3A_112] {strides = array<i32>} : memref<128x128xf32, #tpu.memory_space<vmem>>, vector<1x16xf32>,
      %get3A_114 = vector.shape_cast %get3A_113 : vector<1x16xf32> to vector<16xf32>
      %get3A_115 = arith.index_cast %scan3A_84 : i32 to index
      %get3A_116 = arith.constant 32 : index
      %get3A_117 = tpu.vector_load %arg9[%get3A_115, %get3A_116] {strides = array<i32>} : memref<128x128xf32, #tpu.memory_space<vmem>>, vector<1x16xf32>,
      %get3A_118 = vector.shape_cast %get3A_117 : vector<1x16xf32> to vector<16xf32>
      %mul3A_119 = arith.mulf %get3A_114, %get3A_118 : vector<16xf32>
      %swap3A_120 = arith.index_cast %scan3A_84 : i32 to index
      %swap3A_121 = arith.constant 32 : index
      %swap3A_122 = tpu.vector_load %arg8[%swap3A_120, %swap3A_121] {strides = array<i32>} : memref<128x128xf32, #tpu.memory_space<vmem>>, vector<1x16xf32>,
      %swap3A_123 = vector.shape_cast %swap3A_122 : vector<1x16xf32> to vector<16xf32>
      %swap3A_124 = vector.shape_cast %mul3A_119 : vector<16xf32> to vector<1x16xf32>
      tpu.vector_store %arg8[%swap3A_120, %swap3A_121], %swap3A_124 {strides = array<i32>} : memref<128x128xf32, #tpu.memory_space<vmem>>, vector<1x16xf32>,
      %get3A_125 = arith.index_cast %scan3A_84 : i32 to index
      %get3A_126 = arith.constant 48 : index
      %get3A_127 = tpu.vector_load %arg8[%get3A_125, %get3A_126] {strides = array<i32>} : memref<128x128xf32, #tpu.memory_space<vmem>>, vector<1x16xf32>,
      %get3A_128 = vector.shape_cast %get3A_127 : vector<1x16xf32> to vector<16xf32>
      %get3A_129 = arith.index_cast %scan3A_84 : i32 to index
      %get3A_130 = arith.constant 48 : index
      %get3A_131 = tpu.vector_load %arg9[%get3A_129, %get3A_130] {strides = array<i32>} : memref<128x128xf32, #tpu.memory_space<vmem>>, vector<1x16xf32>,
      %get3A_132 = vector.shape_cast %get3A_131 : vector<1x16xf32> to vector<16xf32>
      %mul3A_133 = arith.mulf %get3A_128, %get3A_132 : vector<16xf32>
      %swap3A_134 = arith.index_cast %scan3A_84 : i32 to index
      %swap3A_135 = arith.constant 48 : index
      %swap3A_136 = tpu.vector_load %arg8[%swap3A_134, %swap3A_135] {strides = array<i32>} : memref<128x128xf32, #tpu.memory_space<vmem>>, vector<1x16xf32>,
      %swap3A_137 = vector.shape_cast %swap3A_136 : vector<1x16xf32> to vector<16xf32>
      %swap3A_138 = vector.shape_cast %mul3A_133 : vector<16xf32> to vector<1x16xf32>
      tpu.vector_store %arg8[%swap3A_134, %swap3A_135], %swap3A_138 {strides = array<i32>} : memref<128x128xf32, #tpu.memory_space<vmem>>, vector<1x16xf32>,
      %get3A_139 = arith.index_cast %scan3A_84 : i32 to index
      %get3A_140 = arith.constant 64 : index
      %get3A_141 = tpu.vector_load %arg8[%get3A_139, %get3A_140] {strides = array<i32>} : memref<128x128xf32, #tpu.memory_space<vmem>>, vector<1x16xf32>,
      %get3A_142 = vector.shape_cast %get3A_141 : vector<1x16xf32> to vector<16xf32>
      %get3A_143 = arith.index_cast %scan3A_84 : i32 to index
      %get3A_144 = arith.constant 64 : index
      %get3A_145 = tpu.vector_load %arg9[%get3A_143, %get3A_144] {strides = array<i32>} : memref<128x128xf32, #tpu.memory_space<vmem>>, vector<1x16xf32>,
      %get3A_146 = vector.shape_cast %get3A_145 : vector<1x16xf32> to vector<16xf32>
      %mul3A_147 = arith.mulf %get3A_142, %get3A_146 : vector<16xf32>
      %swap3A_148 = arith.index_cast %scan3A_84 : i32 to index
      %swap3A_149 = arith.constant 64 : index
      %swap3A_150 = tpu.vector_load %arg8[%swap3A_148, %swap3A_149] {strides = array<i32>} : memref<128x128xf32, #tpu.memory_space<vmem>>, vector<1x16xf32>,
      %swap3A_151 = vector.shape_cast %swap3A_150 : vector<1x16xf32> to vector<16xf32>
      %swap3A_152 = vector.shape_cast %mul3A_147 : vector<16xf32> to vector<1x16xf32>
      tpu.vector_store %arg8[%swap3A_148, %swap3A_149], %swap3A_152 {strides = array<i32>} : memref<128x128xf32, #tpu.memory_space<vmem>>, vector<1x16xf32>,
      %get3A_153 = arith.index_cast %scan3A_84 : i32 to index
      %get3A_154 = arith.constant 80 : index
      %get3A_155 = tpu.vector_load %arg8[%get3A_153, %get3A_154] {strides = array<i32>} : memref<128x128xf32, #tpu.memory_space<vmem>>, vector<1x16xf32>,
      %get3A_156 = vector.shape_cast %get3A_155 : vector<1x16xf32> to vector<16xf32>
      %get3A_157 = arith.index_cast %scan3A_84 : i32 to index
      %get3A_158 = arith.constant 80 : index
      %get3A_159 = tpu.vector_load %arg9[%get3A_157, %get3A_158] {strides = array<i32>} : memref<128x128xf32, #tpu.memory_space<vmem>>, vector<1x16xf32>,
      %get3A_160 = vector.shape_cast %get3A_159 : vector<1x16xf32> to vector<16xf32>
      %mul3A_161 = arith.mulf %get3A_156, %get3A_160 : vector<16xf32>
      %swap3A_162 = arith.index_cast %scan3A_84 : i32 to index
      %swap3A_163 = arith.constant 80 : index
      %swap3A_164 = tpu.vector_load %arg8[%swap3A_162, %swap3A_163] {strides = array<i32>} : memref<128x128xf32, #tpu.memory_space<vmem>>, vector<1x16xf32>,
      %swap3A_165 = vector.shape_cast %swap3A_164 : vector<1x16xf32> to vector<16xf32>
      %swap3A_166 = vector.shape_cast %mul3A_161 : vector<16xf32> to vector<1x16xf32>
      tpu.vector_store %arg8[%swap3A_162, %swap3A_163], %swap3A_166 {strides = array<i32>} : memref<128x128xf32, #tpu.memory_space<vmem>>, vector<1x16xf32>,
      %get3A_167 = arith.index_cast %scan3A_84 : i32 to index
      %get3A_168 = arith.constant 96 : index
      %get3A_169 = tpu.vector_load %arg8[%get3A_167, %get3A_168] {strides = array<i32>} : memref<128x128xf32, #tpu.memory_space<vmem>>, vector<1x16xf32>,
      %get3A_170 = vector.shape_cast %get3A_169 : vector<1x16xf32> to vector<16xf32>
      %get3A_171 = arith.index_cast %scan3A_84 : i32 to index
      %get3A_172 = arith.constant 96 : index
      %get3A_173 = tpu.vector_load %arg9[%get3A_171, %get3A_172] {strides = array<i32>} : memref<128x128xf32, #tpu.memory_space<vmem>>, vector<1x16xf32>,
      %get3A_174 = vector.shape_cast %get3A_173 : vector<1x16xf32> to vector<16xf32>
      %mul3A_175 = arith.mulf %get3A_170, %get3A_174 : vector<16xf32>
      %swap3A_176 = arith.index_cast %scan3A_84 : i32 to index
      %swap3A_177 = arith.constant 96 : index
      %swap3A_178 = tpu.vector_load %arg8[%swap3A_176, %swap3A_177] {strides = array<i32>} : memref<128x128xf32, #tpu.memory_space<vmem>>, vector<1x16xf32>,
      %swap3A_179 = vector.shape_cast %swap3A_178 : vector<1x16xf32> to vector<16xf32>
      %swap3A_180 = vector.shape_cast %mul3A_175 : vector<16xf32> to vector<1x16xf32>
      tpu.vector_store %arg8[%swap3A_176, %swap3A_177], %swap3A_180 {strides = array<i32>} : memref<128x128xf32, #tpu.memory_space<vmem>>, vector<1x16xf32>,
      %get3A_181 = arith.index_cast %scan3A_84 : i32 to index
      %get3A_182 = arith.constant 112 : index
      %get3A_183 = tpu.vector_load %arg8[%get3A_181, %get3A_182] {strides = array<i32>} : memref<128x128xf32, #tpu.memory_space<vmem>>, vector<1x16xf32>,
      %get3A_184 = vector.shape_cast %get3A_183 : vector<1x16xf32> to vector<16xf32>
      %get3A_185 = arith.index_cast %scan3A_84 : i32 to index
      %get3A_186 = arith.constant 112 : index
      %get3A_187 = tpu.vector_load %arg9[%get3A_185, %get3A_186] {strides = array<i32>} : memref<128x128xf32, #tpu.memory_space<vmem>>, vector<1x16xf32>,
      %get3A_188 = vector.shape_cast %get3A_187 : vector<1x16xf32> to vector<16xf32>
      %mul3A_189 = arith.mulf %get3A_184, %get3A_188 : vector<16xf32>
      %swap3A_190 = arith.index_cast %scan3A_84 : i32 to index
      %swap3A_191 = arith.constant 112 : index
      %swap3A_192 = tpu.vector_load %arg8[%swap3A_190, %swap3A_191] {strides = array<i32>} : memref<128x128xf32, #tpu.memory_space<vmem>>, vector<1x16xf32>,
      %swap3A_193 = vector.shape_cast %swap3A_192 : vector<1x16xf32> to vector<16xf32>
      %swap3A_194 = vector.shape_cast %mul3A_189 : vector<16xf32> to vector<1x16xf32>
      tpu.vector_store %arg8[%swap3A_190, %swap3A_191], %swap3A_194 {strides = array<i32>} : memref<128x128xf32, #tpu.memory_space<vmem>>, vector<1x16xf32>,
    }
    %scan3A_51 = arith.constant 128 : i32
    %mul3A_52 = arith.constant 8 : i32
    %mul3A_53 = arith.muli %add3A, %mul3A_52 : i32
    %add3A_54 = arith.constant 6 : i32
    %add3A_55 = arith.addi %mul3A_53, %add3A_54 : i32
    %mul3A_56 = arith.constant 128 : i32
    %mul3A_57 = arith.muli %add3A_55, %mul3A_56 : i32
    "tpu.region"() ({
      %run_scoped3A = tpu.sem_alloc : memref<!tpu.dma_semaphore, #tpu.memory_space<semaphore_mem>>
      %dma_start3A_84 = arith.constant 0 : i32
      %dma_start3A_85 = tpu.memref_slice %arg5[%mul3A_57, %dma_start3A_84] : memref<32768x128xf32, #tpu.memory_space<hbm>> -> memref<128x128xf32, #tpu.memory_space<hbm>>
      %dma_start3A_86 = arith.constant 0 : i32
      %dma_start3A_87 = tpu.memref_slice %arg5[%mul3A_57, %dma_start3A_86] : memref<32768x128xf32, #tpu.memory_space<hbm>> -> memref<128x128xf32, #tpu.memory_space<hbm>>
      tpu.enqueue_dma source(%arg8 : memref<128x128xf32, #tpu.memory_space<vmem>>) target(%dma_start3A_87 : memref<128x128xf32, #tpu.memory_space<hbm>>) target_semaphore(%run_scoped3A : memref<!tpu.dma_semaphore, #tpu.memory_space<semaphore_mem>>)
      %dma_wait3A_88 = arith.constant 0 : i32
      %dma_wait3A_89 = tpu.memref_slice %arg5[%mul3A_57, %dma_wait3A_88] : memref<32768x128xf32, #tpu.memory_space<hbm>> -> memref<128x128xf32, #tpu.memory_space<hbm>>
      %dma_wait3A_90 = arith.constant 0 : i32
      %dma_wait3A_91 = tpu.memref_slice %arg5[%mul3A_57, %dma_wait3A_90] : memref<32768x128xf32, #tpu.memory_space<hbm>> -> memref<128x128xf32, #tpu.memory_space<hbm>>
      tpu.wait_dma2 semaphore(%run_scoped3A : memref<!tpu.dma_semaphore, #tpu.memory_space<semaphore_mem>>) src(%arg8 : memref<128x128xf32, #tpu.memory_space<vmem>>) dst(%dma_wait3A_91 : memref<128x128xf32, #tpu.memory_space<hbm>>)
      tpu.yield
    }) : () -> ()
    %dma_wait3A_58 = arith.constant 7 : i32
    %dma_wait3A_59 = arith.constant 0 : i32
    %dma_wait3A_60 = tpu.memref_slice %arg6[%dma_wait3A_58, %dma_wait3A_59] : memref<8x128xi32, #tpu.memory_space<vmem>> -> memref<1x128xi32, #tpu.memory_space<vmem>>
    %dma_wait3A_61 = tpu.memref_squeeze %dma_wait3A_60 : memref<1x128xi32, #tpu.memory_space<vmem>> -> memref<128xi32, #tpu.memory_space<vmem>>
    %dma_wait3A_62 = arith.constant 0 : i32
    %dma_wait3A_63 = arith.constant 0 : i32
    %dma_wait3A_64 = tpu.memref_slice %arg2[%dma_wait3A_62, %dma_wait3A_63] : memref<10000x128xf32, #tpu.memory_space<hbm>> -> memref<10000x128xf32, #tpu.memory_space<hbm>>
    tpu.wait_indirect_dma semaphore(%arg13 : memref<!tpu.dma_semaphore, #tpu.memory_space<semaphore_mem>>) src(%dma_wait3A_64 : memref<10000x128xf32, #tpu.memory_space<hbm>>) dst(%arg10 : memref<128x128xf32, #tpu.memory_space<vmem>>)
    %dma_wait3A_65 = arith.constant 7 : i32
    %dma_wait3A_66 = arith.constant 0 : i32
    %dma_wait3A_67 = tpu.memref_slice %arg7[%dma_wait3A_65, %dma_wait3A_66] : memref<8x128xi32, #tpu.memory_space<vmem>> -> memref<1x128xi32, #tpu.memory_space<vmem>>
    %dma_wait3A_68 = tpu.memref_squeeze %dma_wait3A_67 : memref<1x128xi32, #tpu.memory_space<vmem>> -> memref<128xi32, #tpu.memory_space<vmem>>
    %dma_wait3A_69 = arith.constant 0 : i32
    %dma_wait3A_70 = arith.constant 0 : i32
    %dma_wait3A_71 = tpu.memref_slice %arg2[%dma_wait3A_69, %dma_wait3A_70] : memref<10000x128xf32, #tpu.memory_space<hbm>> -> memref<10000x128xf32, #tpu.memory_space<hbm>>
    tpu.wait_indirect_dma semaphore(%arg13 : memref<!tpu.dma_semaphore, #tpu.memory_space<semaphore_mem>>) src(%dma_wait3A_71 : memref<10000x128xf32, #tpu.memory_space<hbm>>) dst(%arg11 : memref<128x128xf32, #tpu.memory_space<vmem>>)
    %scan3A_72 = arith.constant 0 : i32
    %scan3A_73 = arith.constant 0 : i32
    %scan3A_74 = arith.constant 128 : i32
    %scan3A_75 = arith.addi %scan3A_73, %scan3A_74 : i32
    %scan3A_76 = arith.constant 1 : i32
    scf.for %scan3A_84 = %scan3A_73 to %scan3A_75 step %scan3A_76  : i32 {
      %get3A = arith.index_cast %scan3A_84 : i32 to index
      %get3A_85 = arith.constant 0 : index
      %get3A_86 = tpu.vector_load %arg10[%get3A, %get3A_85] {strides = array<i32>} : memref<128x128xf32, #tpu.memory_space<vmem>>, vector<1x16xf32>,
      %get3A_87 = vector.shape_cast %get3A_86 : vector<1x16xf32> to vector<16xf32>
      %get3A_88 = arith.index_cast %scan3A_84 : i32 to index
      %get3A_89 = arith.constant 0 : index
      %get3A_90 = tpu.vector_load %arg11[%get3A_88, %get3A_89] {strides = array<i32>} : memref<128x128xf32, #tpu.memory_space<vmem>>, vector<1x16xf32>,
      %get3A_91 = vector.shape_cast %get3A_90 : vector<1x16xf32> to vector<16xf32>
      %mul3A_92 = arith.mulf %get3A_87, %get3A_91 : vector<16xf32>
      %swap3A = arith.index_cast %scan3A_84 : i32 to index
      %swap3A_93 = arith.constant 0 : index
      %swap3A_94 = tpu.vector_load %arg10[%swap3A, %swap3A_93] {strides = array<i32>} : memref<128x128xf32, #tpu.memory_space<vmem>>, vector<1x16xf32>,
      %swap3A_95 = vector.shape_cast %swap3A_94 : vector<1x16xf32> to vector<16xf32>
      %swap3A_96 = vector.shape_cast %mul3A_92 : vector<16xf32> to vector<1x16xf32>
      tpu.vector_store %arg10[%swap3A, %swap3A_93], %swap3A_96 {strides = array<i32>} : memref<128x128xf32, #tpu.memory_space<vmem>>, vector<1x16xf32>,
      %get3A_97 = arith.index_cast %scan3A_84 : i32 to index
      %get3A_98 = arith.constant 16 : index
      %get3A_99 = tpu.vector_load %arg10[%get3A_97, %get3A_98] {strides = array<i32>} : memref<128x128xf32, #tpu.memory_space<vmem>>, vector<1x16xf32>,
      %get3A_100 = vector.shape_cast %get3A_99 : vector<1x16xf32> to vector<16xf32>
      %get3A_101 = arith.index_cast %scan3A_84 : i32 to index
      %get3A_102 = arith.constant 16 : index
      %get3A_103 = tpu.vector_load %arg11[%get3A_101, %get3A_102] {strides = array<i32>} : memref<128x128xf32, #tpu.memory_space<vmem>>, vector<1x16xf32>,
      %get3A_104 = vector.shape_cast %get3A_103 : vector<1x16xf32> to vector<16xf32>
      %mul3A_105 = arith.mulf %get3A_100, %get3A_104 : vector<16xf32>
      %swap3A_106 = arith.index_cast %scan3A_84 : i32 to index
      %swap3A_107 = arith.constant 16 : index
      %swap3A_108 = tpu.vector_load %arg10[%swap3A_106, %swap3A_107] {strides = array<i32>} : memref<128x128xf32, #tpu.memory_space<vmem>>, vector<1x16xf32>,
      %swap3A_109 = vector.shape_cast %swap3A_108 : vector<1x16xf32> to vector<16xf32>
      %swap3A_110 = vector.shape_cast %mul3A_105 : vector<16xf32> to vector<1x16xf32>
      tpu.vector_store %arg10[%swap3A_106, %swap3A_107], %swap3A_110 {strides = array<i32>} : memref<128x128xf32, #tpu.memory_space<vmem>>, vector<1x16xf32>,
      %get3A_111 = arith.index_cast %scan3A_84 : i32 to index
      %get3A_112 = arith.constant 32 : index
      %get3A_113 = tpu.vector_load %arg10[%get3A_111, %get3A_112] {strides = array<i32>} : memref<128x128xf32, #tpu.memory_space<vmem>>, vector<1x16xf32>,
      %get3A_114 = vector.shape_cast %get3A_113 : vector<1x16xf32> to vector<16xf32>
      %get3A_115 = arith.index_cast %scan3A_84 : i32 to index
      %get3A_116 = arith.constant 32 : index
      %get3A_117 = tpu.vector_load %arg11[%get3A_115, %get3A_116] {strides = array<i32>} : memref<128x128xf32, #tpu.memory_space<vmem>>, vector<1x16xf32>,
      %get3A_118 = vector.shape_cast %get3A_117 : vector<1x16xf32> to vector<16xf32>
      %mul3A_119 = arith.mulf %get3A_114, %get3A_118 : vector<16xf32>
      %swap3A_120 = arith.index_cast %scan3A_84 : i32 to index
      %swap3A_121 = arith.constant 32 : index
      %swap3A_122 = tpu.vector_load %arg10[%swap3A_120, %swap3A_121] {strides = array<i32>} : memref<128x128xf32, #tpu.memory_space<vmem>>, vector<1x16xf32>,
      %swap3A_123 = vector.shape_cast %swap3A_122 : vector<1x16xf32> to vector<16xf32>
      %swap3A_124 = vector.shape_cast %mul3A_119 : vector<16xf32> to vector<1x16xf32>
      tpu.vector_store %arg10[%swap3A_120, %swap3A_121], %swap3A_124 {strides = array<i32>} : memref<128x128xf32, #tpu.memory_space<vmem>>, vector<1x16xf32>,
      %get3A_125 = arith.index_cast %scan3A_84 : i32 to index
      %get3A_126 = arith.constant 48 : index
      %get3A_127 = tpu.vector_load %arg10[%get3A_125, %get3A_126] {strides = array<i32>} : memref<128x128xf32, #tpu.memory_space<vmem>>, vector<1x16xf32>,
      %get3A_128 = vector.shape_cast %get3A_127 : vector<1x16xf32> to vector<16xf32>
      %get3A_129 = arith.index_cast %scan3A_84 : i32 to index
      %get3A_130 = arith.constant 48 : index
      %get3A_131 = tpu.vector_load %arg11[%get3A_129, %get3A_130] {strides = array<i32>} : memref<128x128xf32, #tpu.memory_space<vmem>>, vector<1x16xf32>,
      %get3A_132 = vector.shape_cast %get3A_131 : vector<1x16xf32> to vector<16xf32>
      %mul3A_133 = arith.mulf %get3A_128, %get3A_132 : vector<16xf32>
      %swap3A_134 = arith.index_cast %scan3A_84 : i32 to index
      %swap3A_135 = arith.constant 48 : index
      %swap3A_136 = tpu.vector_load %arg10[%swap3A_134, %swap3A_135] {strides = array<i32>} : memref<128x128xf32, #tpu.memory_space<vmem>>, vector<1x16xf32>,
      %swap3A_137 = vector.shape_cast %swap3A_136 : vector<1x16xf32> to vector<16xf32>
      %swap3A_138 = vector.shape_cast %mul3A_133 : vector<16xf32> to vector<1x16xf32>
      tpu.vector_store %arg10[%swap3A_134, %swap3A_135], %swap3A_138 {strides = array<i32>} : memref<128x128xf32, #tpu.memory_space<vmem>>, vector<1x16xf32>,
      %get3A_139 = arith.index_cast %scan3A_84 : i32 to index
      %get3A_140 = arith.constant 64 : index
      %get3A_141 = tpu.vector_load %arg10[%get3A_139, %get3A_140] {strides = array<i32>} : memref<128x128xf32, #tpu.memory_space<vmem>>, vector<1x16xf32>,
      %get3A_142 = vector.shape_cast %get3A_141 : vector<1x16xf32> to vector<16xf32>
      %get3A_143 = arith.index_cast %scan3A_84 : i32 to index
      %get3A_144 = arith.constant 64 : index
      %get3A_145 = tpu.vector_load %arg11[%get3A_143, %get3A_144] {strides = array<i32>} : memref<128x128xf32, #tpu.memory_space<vmem>>, vector<1x16xf32>,
      %get3A_146 = vector.shape_cast %get3A_145 : vector<1x16xf32> to vector<16xf32>
      %mul3A_147 = arith.mulf %get3A_142, %get3A_146 : vector<16xf32>
      %swap3A_148 = arith.index_cast %scan3A_84 : i32 to index
      %swap3A_149 = arith.constant 64 : index
      %swap3A_150 = tpu.vector_load %arg10[%swap3A_148, %swap3A_149] {strides = array<i32>} : memref<128x128xf32, #tpu.memory_space<vmem>>, vector<1x16xf32>,
      %swap3A_151 = vector.shape_cast %swap3A_150 : vector<1x16xf32> to vector<16xf32>
      %swap3A_152 = vector.shape_cast %mul3A_147 : vector<16xf32> to vector<1x16xf32>
      tpu.vector_store %arg10[%swap3A_148, %swap3A_149], %swap3A_152 {strides = array<i32>} : memref<128x128xf32, #tpu.memory_space<vmem>>, vector<1x16xf32>,
      %get3A_153 = arith.index_cast %scan3A_84 : i32 to index
      %get3A_154 = arith.constant 80 : index
      %get3A_155 = tpu.vector_load %arg10[%get3A_153, %get3A_154] {strides = array<i32>} : memref<128x128xf32, #tpu.memory_space<vmem>>, vector<1x16xf32>,
      %get3A_156 = vector.shape_cast %get3A_155 : vector<1x16xf32> to vector<16xf32>
      %get3A_157 = arith.index_cast %scan3A_84 : i32 to index
      %get3A_158 = arith.constant 80 : index
      %get3A_159 = tpu.vector_load %arg11[%get3A_157, %get3A_158] {strides = array<i32>} : memref<128x128xf32, #tpu.memory_space<vmem>>, vector<1x16xf32>,
      %get3A_160 = vector.shape_cast %get3A_159 : vector<1x16xf32> to vector<16xf32>
      %mul3A_161 = arith.mulf %get3A_156, %get3A_160 : vector<16xf32>
      %swap3A_162 = arith.index_cast %scan3A_84 : i32 to index
      %swap3A_163 = arith.constant 80 : index
      %swap3A_164 = tpu.vector_load %arg10[%swap3A_162, %swap3A_163] {strides = array<i32>} : memref<128x128xf32, #tpu.memory_space<vmem>>, vector<1x16xf32>,
      %swap3A_165 = vector.shape_cast %swap3A_164 : vector<1x16xf32> to vector<16xf32>
      %swap3A_166 = vector.shape_cast %mul3A_161 : vector<16xf32> to vector<1x16xf32>
      tpu.vector_store %arg10[%swap3A_162, %swap3A_163], %swap3A_166 {strides = array<i32>} : memref<128x128xf32, #tpu.memory_space<vmem>>, vector<1x16xf32>,
      %get3A_167 = arith.index_cast %scan3A_84 : i32 to index
      %get3A_168 = arith.constant 96 : index
      %get3A_169 = tpu.vector_load %arg10[%get3A_167, %get3A_168] {strides = array<i32>} : memref<128x128xf32, #tpu.memory_space<vmem>>, vector<1x16xf32>,
      %get3A_170 = vector.shape_cast %get3A_169 : vector<1x16xf32> to vector<16xf32>
      %get3A_171 = arith.index_cast %scan3A_84 : i32 to index
      %get3A_172 = arith.constant 96 : index
      %get3A_173 = tpu.vector_load %arg11[%get3A_171, %get3A_172] {strides = array<i32>} : memref<128x128xf32, #tpu.memory_space<vmem>>, vector<1x16xf32>,
      %get3A_174 = vector.shape_cast %get3A_173 : vector<1x16xf32> to vector<16xf32>
      %mul3A_175 = arith.mulf %get3A_170, %get3A_174 : vector<16xf32>
      %swap3A_176 = arith.index_cast %scan3A_84 : i32 to index
      %swap3A_177 = arith.constant 96 : index
      %swap3A_178 = tpu.vector_load %arg10[%swap3A_176, %swap3A_177] {strides = array<i32>} : memref<128x128xf32, #tpu.memory_space<vmem>>, vector<1x16xf32>,
      %swap3A_179 = vector.shape_cast %swap3A_178 : vector<1x16xf32> to vector<16xf32>
      %swap3A_180 = vector.shape_cast %mul3A_175 : vector<16xf32> to vector<1x16xf32>
      tpu.vector_store %arg10[%swap3A_176, %swap3A_177], %swap3A_180 {strides = array<i32>} : memref<128x128xf32, #tpu.memory_space<vmem>>, vector<1x16xf32>,
      %get3A_181 = arith.index_cast %scan3A_84 : i32 to index
      %get3A_182 = arith.constant 112 : index
      %get3A_183 = tpu.vector_load %arg10[%get3A_181, %get3A_182] {strides = array<i32>} : memref<128x128xf32, #tpu.memory_space<vmem>>, vector<1x16xf32>,
      %get3A_184 = vector.shape_cast %get3A_183 : vector<1x16xf32> to vector<16xf32>
      %get3A_185 = arith.index_cast %scan3A_84 : i32 to index
      %get3A_186 = arith.constant 112 : index
      %get3A_187 = tpu.vector_load %arg11[%get3A_185, %get3A_186] {strides = array<i32>} : memref<128x128xf32, #tpu.memory_space<vmem>>, vector<1x16xf32>,
      %get3A_188 = vector.shape_cast %get3A_187 : vector<1x16xf32> to vector<16xf32>
      %mul3A_189 = arith.mulf %get3A_184, %get3A_188 : vector<16xf32>
      %swap3A_190 = arith.index_cast %scan3A_84 : i32 to index
      %swap3A_191 = arith.constant 112 : index
      %swap3A_192 = tpu.vector_load %arg10[%swap3A_190, %swap3A_191] {strides = array<i32>} : memref<128x128xf32, #tpu.memory_space<vmem>>, vector<1x16xf32>,
      %swap3A_193 = vector.shape_cast %swap3A_192 : vector<1x16xf32> to vector<16xf32>
      %swap3A_194 = vector.shape_cast %mul3A_189 : vector<16xf32> to vector<1x16xf32>
      tpu.vector_store %arg10[%swap3A_190, %swap3A_191], %swap3A_194 {strides = array<i32>} : memref<128x128xf32, #tpu.memory_space<vmem>>, vector<1x16xf32>,
    }
    %scan3A_77 = arith.constant 128 : i32
    %mul3A_78 = arith.constant 8 : i32
    %mul3A_79 = arith.muli %add3A, %mul3A_78 : i32
    %add3A_80 = arith.constant 7 : i32
    %add3A_81 = arith.addi %mul3A_79, %add3A_80 : i32
    %mul3A_82 = arith.constant 128 : i32
    %mul3A_83 = arith.muli %add3A_81, %mul3A_82 : i32
    "tpu.region"() ({
      %run_scoped3A = tpu.sem_alloc : memref<!tpu.dma_semaphore, #tpu.memory_space<semaphore_mem>>
      %dma_start3A_84 = arith.constant 0 : i32
      %dma_start3A_85 = tpu.memref_slice %arg5[%mul3A_83, %dma_start3A_84] : memref<32768x128xf32, #tpu.memory_space<hbm>> -> memref<128x128xf32, #tpu.memory_space<hbm>>
      %dma_start3A_86 = arith.constant 0 : i32
      %dma_start3A_87 = tpu.memref_slice %arg5[%mul3A_83, %dma_start3A_86] : memref<32768x128xf32, #tpu.memory_space<hbm>> -> memref<128x128xf32, #tpu.memory_space<hbm>>
      tpu.enqueue_dma source(%arg10 : memref<128x128xf32, #tpu.memory_space<vmem>>) target(%dma_start3A_87 : memref<128x128xf32, #tpu.memory_space<hbm>>) target_semaphore(%run_scoped3A : memref<!tpu.dma_semaphore, #tpu.memory_space<semaphore_mem>>)
      %dma_wait3A_88 = arith.constant 0 : i32
      %dma_wait3A_89 = tpu.memref_slice %arg5[%mul3A_83, %dma_wait3A_88] : memref<32768x128xf32, #tpu.memory_space<hbm>> -> memref<128x128xf32, #tpu.memory_space<hbm>>
      %dma_wait3A_90 = arith.constant 0 : i32
      %dma_wait3A_91 = tpu.memref_slice %arg5[%mul3A_83, %dma_wait3A_90] : memref<32768x128xf32, #tpu.memory_space<hbm>> -> memref<128x128xf32, #tpu.memory_space<hbm>>
      tpu.wait_dma2 semaphore(%run_scoped3A : memref<!tpu.dma_semaphore, #tpu.memory_space<semaphore_mem>>) src(%arg10 : memref<128x128xf32, #tpu.memory_space<vmem>>) dst(%dma_wait3A_91 : memref<128x128xf32, #tpu.memory_space<hbm>>)
      tpu.yield
    }) : () -> ()
    return
  }
}

#map = affine_map<(d0, d1) -> (0, 0)>
#map1 = affine_map<(d0, d1) -> (0, 0, 0, 0)>
#map2 = affine_map<(d0, d1) -> (0, 0, 0)>
module attributes {stable_mosaic.version = 14 : i64} {
  func.func @_sc_agg_body(%arg0: i32, %arg1: i32, %arg2: memref<20000x64xf32, #tpu.memory_space<hbm>>, %arg3: memref<2x16x158x128xi32, #tpu.memory_space<hbm>>, %arg4: memref<16x158x128xi32, #tpu.memory_space<hbm>>, %arg5: memref<768x8xf32, #tpu.memory_space<hbm>>, %arg6: memref<2x10240x64xf32, #tpu.memory_space<hbm>>, %arg7: memref<10240x8xf32, #tpu.memory_space<hbm>>, %arg8: memref<158x128xi32, #tpu.memory_space<vmem>>, %arg9: memref<158x128xi32, #tpu.memory_space<vmem>>, %arg10: memref<128x64xf32, #tpu.memory_space<vmem>>, %arg11: memref<128x64xf32, #tpu.memory_space<vmem>>, %arg12: memref<768x8xf32, #tpu.memory_space<vmem>>, %arg13: memref<10240x64xf32, #tpu.memory_space<vmem_shared>>, %arg14: memref<10240x8xf32, #tpu.memory_space<vmem_shared>>, %arg15: memref<!tpu.dma_semaphore, #tpu.memory_space<semaphore_mem>>, %arg16: memref<!tpu.dma_semaphore, #tpu.memory_space<semaphore_mem>>) attributes {dimension_semantics = [#tpu.dimension_semantics<core_parallel>, #tpu.dimension_semantics<subcore_parallel>], iteration_bounds = array<i64: 2, 16>, scalar_prefetch = 0 : i64, scratch_operands = 9 : i64, tpu.core_type = #tpu.core_type<sc_vector_subcore>, window_params = [{transform_indices = #map}, {transform_indices = #map1}, {transform_indices = #map2}, {transform_indices = #map}, {transform_indices = #map2}, {transform_indices = #map}]} {
    "tpu.region"() ({
      %run_scoped3A_67 = tpu.sem_alloc : memref<!tpu.dma_semaphore, #tpu.memory_space<semaphore_mem>>
      tpu.enqueue_dma source(%arg5 : memref<768x8xf32, #tpu.memory_space<hbm>>) target(%arg12 : memref<768x8xf32, #tpu.memory_space<vmem>>) target_semaphore(%run_scoped3A_67 : memref<!tpu.dma_semaphore, #tpu.memory_space<semaphore_mem>>)
      tpu.wait_dma2 semaphore(%run_scoped3A_67 : memref<!tpu.dma_semaphore, #tpu.memory_space<semaphore_mem>>) src(%arg5 : memref<768x8xf32, #tpu.memory_space<hbm>>) dst(%arg12 : memref<768x8xf32, #tpu.memory_space<vmem>>)
      tpu.yield
    }) : () -> ()
    %mul3A = arith.constant 640 : i32
    %mul3A_0 = arith.muli %arg1, %mul3A : i32
    "tpu.region"() ({
      %run_scoped3A_67 = tpu.sem_alloc : memref<!tpu.dma_semaphore, #tpu.memory_space<semaphore_mem>>
      %dma_start3A_68 = arith.constant 0 : i32
      %dma_start3A_69 = arith.constant 0 : i32
      %dma_start3A_70 = tpu.memref_slice %arg12[%dma_start3A_68, %dma_start3A_69] : memref<768x8xf32, #tpu.memory_space<vmem>> -> memref<640x8xf32, #tpu.memory_space<vmem>>
      %dma_start3A_71 = arith.constant 0 : i32
      %dma_start3A_72 = tpu.memref_slice %arg14[%mul3A_0, %dma_start3A_71] : memref<10240x8xf32, #tpu.memory_space<vmem_shared>> -> memref<640x8xf32, #tpu.memory_space<vmem_shared>>
      %dma_start3A_73 = arith.constant 0 : i32
      %dma_start3A_74 = tpu.memref_slice %arg14[%mul3A_0, %dma_start3A_73] : memref<10240x8xf32, #tpu.memory_space<vmem_shared>> -> memref<640x8xf32, #tpu.memory_space<vmem_shared>>
      %dma_start3A_75 = arith.constant 0 : i32
      %dma_start3A_76 = arith.constant 0 : i32
      %dma_start3A_77 = tpu.memref_slice %arg12[%dma_start3A_75, %dma_start3A_76] : memref<768x8xf32, #tpu.memory_space<vmem>> -> memref<640x8xf32, #tpu.memory_space<vmem>>
      tpu.enqueue_dma source(%dma_start3A_77 : memref<640x8xf32, #tpu.memory_space<vmem>>) target(%dma_start3A_74 : memref<640x8xf32, #tpu.memory_space<vmem_shared>>) target_semaphore(%run_scoped3A_67 : memref<!tpu.dma_semaphore, #tpu.memory_space<semaphore_mem>>)
      %dma_wait3A_78 = arith.constant 0 : i32
      %dma_wait3A_79 = arith.constant 0 : i32
      %dma_wait3A_80 = tpu.memref_slice %arg12[%dma_wait3A_78, %dma_wait3A_79] : memref<768x8xf32, #tpu.memory_space<vmem>> -> memref<640x8xf32, #tpu.memory_space<vmem>>
      %dma_wait3A_81 = arith.constant 0 : i32
      %dma_wait3A_82 = tpu.memref_slice %arg14[%mul3A_0, %dma_wait3A_81] : memref<10240x8xf32, #tpu.memory_space<vmem_shared>> -> memref<640x8xf32, #tpu.memory_space<vmem_shared>>
      %dma_wait3A_83 = arith.constant 0 : i32
      %dma_wait3A_84 = tpu.memref_slice %arg14[%mul3A_0, %dma_wait3A_83] : memref<10240x8xf32, #tpu.memory_space<vmem_shared>> -> memref<640x8xf32, #tpu.memory_space<vmem_shared>>
      %dma_wait3A_85 = arith.constant 0 : i32
      %dma_wait3A_86 = arith.constant 0 : i32
      %dma_wait3A_87 = tpu.memref_slice %arg12[%dma_wait3A_85, %dma_wait3A_86] : memref<768x8xf32, #tpu.memory_space<vmem>> -> memref<640x8xf32, #tpu.memory_space<vmem>>
      tpu.wait_dma2 semaphore(%run_scoped3A_67 : memref<!tpu.dma_semaphore, #tpu.memory_space<semaphore_mem>>) src(%dma_wait3A_87 : memref<640x8xf32, #tpu.memory_space<vmem>>) dst(%dma_wait3A_84 : memref<640x8xf32, #tpu.memory_space<vmem_shared>>)
      tpu.yield
    }) : () -> ()
    %scan3A = arith.constant 0 : i32
    %scan3A_1 = arith.constant 0 : i32
    %scan3A_2 = arith.constant 128 : i32
    %scan3A_3 = arith.addi %scan3A_1, %scan3A_2 : i32
    %scan3A_4 = arith.constant 1 : i32
    scf.for %scan3A_67 = %scan3A_1 to %scan3A_3 step %scan3A_4  : i32 {
      %broadcast_in_dim3A = arith.constant 0.000000e+00 : f32
      %broadcast_in_dim3A_68 = vector.broadcast %broadcast_in_dim3A : f32 to vector<16xf32>
      %swap3A = arith.index_cast %scan3A_67 : i32 to index
      %swap3A_69 = arith.constant 0 : index
      %swap3A_70 = tpu.vector_load %arg10[%swap3A, %swap3A_69] {strides = array<i32>} : memref<128x64xf32, #tpu.memory_space<vmem>>, vector<1x16xf32>,
      %swap3A_71 = vector.shape_cast %swap3A_70 : vector<1x16xf32> to vector<16xf32>
      %swap3A_72 = vector.shape_cast %broadcast_in_dim3A_68 : vector<16xf32> to vector<1x16xf32>
      tpu.vector_store %arg10[%swap3A, %swap3A_69], %swap3A_72 {strides = array<i32>} : memref<128x64xf32, #tpu.memory_space<vmem>>, vector<1x16xf32>,
      %broadcast_in_dim3A_73 = arith.constant 0.000000e+00 : f32
      %broadcast_in_dim3A_74 = vector.broadcast %broadcast_in_dim3A_73 : f32 to vector<16xf32>
      %swap3A_75 = arith.index_cast %scan3A_67 : i32 to index
      %swap3A_76 = arith.constant 16 : index
      %swap3A_77 = tpu.vector_load %arg10[%swap3A_75, %swap3A_76] {strides = array<i32>} : memref<128x64xf32, #tpu.memory_space<vmem>>, vector<1x16xf32>,
      %swap3A_78 = vector.shape_cast %swap3A_77 : vector<1x16xf32> to vector<16xf32>
      %swap3A_79 = vector.shape_cast %broadcast_in_dim3A_74 : vector<16xf32> to vector<1x16xf32>
      tpu.vector_store %arg10[%swap3A_75, %swap3A_76], %swap3A_79 {strides = array<i32>} : memref<128x64xf32, #tpu.memory_space<vmem>>, vector<1x16xf32>,
      %broadcast_in_dim3A_80 = arith.constant 0.000000e+00 : f32
      %broadcast_in_dim3A_81 = vector.broadcast %broadcast_in_dim3A_80 : f32 to vector<16xf32>
      %swap3A_82 = arith.index_cast %scan3A_67 : i32 to index
      %swap3A_83 = arith.constant 32 : index
      %swap3A_84 = tpu.vector_load %arg10[%swap3A_82, %swap3A_83] {strides = array<i32>} : memref<128x64xf32, #tpu.memory_space<vmem>>, vector<1x16xf32>,
      %swap3A_85 = vector.shape_cast %swap3A_84 : vector<1x16xf32> to vector<16xf32>
      %swap3A_86 = vector.shape_cast %broadcast_in_dim3A_81 : vector<16xf32> to vector<1x16xf32>
      tpu.vector_store %arg10[%swap3A_82, %swap3A_83], %swap3A_86 {strides = array<i32>} : memref<128x64xf32, #tpu.memory_space<vmem>>, vector<1x16xf32>,
      %broadcast_in_dim3A_87 = arith.constant 0.000000e+00 : f32
      %broadcast_in_dim3A_88 = vector.broadcast %broadcast_in_dim3A_87 : f32 to vector<16xf32>
      %swap3A_89 = arith.index_cast %scan3A_67 : i32 to index
      %swap3A_90 = arith.constant 48 : index
      %swap3A_91 = tpu.vector_load %arg10[%swap3A_89, %swap3A_90] {strides = array<i32>} : memref<128x64xf32, #tpu.memory_space<vmem>>, vector<1x16xf32>,
      %swap3A_92 = vector.shape_cast %swap3A_91 : vector<1x16xf32> to vector<16xf32>
      %swap3A_93 = vector.shape_cast %broadcast_in_dim3A_88 : vector<16xf32> to vector<1x16xf32>
      tpu.vector_store %arg10[%swap3A_89, %swap3A_90], %swap3A_93 {strides = array<i32>} : memref<128x64xf32, #tpu.memory_space<vmem>>, vector<1x16xf32>,
    }
    %scan3A_5 = arith.constant 128 : i32
    %mul3A_6 = arith.constant 640 : i32
    %mul3A_7 = arith.muli %arg1, %mul3A_6 : i32
    %add3A = arith.constant 0 : i32
    %add3A_8 = arith.addi %mul3A_7, %add3A : i32
    "tpu.region"() ({
      %run_scoped3A_67 = tpu.sem_alloc : memref<!tpu.dma_semaphore, #tpu.memory_space<semaphore_mem>>
      %dma_start3A_68 = arith.constant 0 : i32
      %dma_start3A_69 = tpu.memref_slice %arg13[%add3A_8, %dma_start3A_68] : memref<10240x64xf32, #tpu.memory_space<vmem_shared>> -> memref<128x64xf32, #tpu.memory_space<vmem_shared>>
      %dma_start3A_70 = arith.constant 0 : i32
      %dma_start3A_71 = tpu.memref_slice %arg13[%add3A_8, %dma_start3A_70] : memref<10240x64xf32, #tpu.memory_space<vmem_shared>> -> memref<128x64xf32, #tpu.memory_space<vmem_shared>>
      tpu.enqueue_dma source(%arg10 : memref<128x64xf32, #tpu.memory_space<vmem>>) target(%dma_start3A_71 : memref<128x64xf32, #tpu.memory_space<vmem_shared>>) target_semaphore(%run_scoped3A_67 : memref<!tpu.dma_semaphore, #tpu.memory_space<semaphore_mem>>)
      %dma_wait3A_72 = arith.constant 0 : i32
      %dma_wait3A_73 = tpu.memref_slice %arg13[%add3A_8, %dma_wait3A_72] : memref<10240x64xf32, #tpu.memory_space<vmem_shared>> -> memref<128x64xf32, #tpu.memory_space<vmem_shared>>
      %dma_wait3A_74 = arith.constant 0 : i32
      %dma_wait3A_75 = tpu.memref_slice %arg13[%add3A_8, %dma_wait3A_74] : memref<10240x64xf32, #tpu.memory_space<vmem_shared>> -> memref<128x64xf32, #tpu.memory_space<vmem_shared>>
      tpu.wait_dma2 semaphore(%run_scoped3A_67 : memref<!tpu.dma_semaphore, #tpu.memory_space<semaphore_mem>>) src(%arg10 : memref<128x64xf32, #tpu.memory_space<vmem>>) dst(%dma_wait3A_75 : memref<128x64xf32, #tpu.memory_space<vmem_shared>>)
      tpu.yield
    }) : () -> ()
    %mul3A_9 = arith.constant 640 : i32
    %mul3A_10 = arith.muli %arg1, %mul3A_9 : i32
    %add3A_11 = arith.constant 128 : i32
    %add3A_12 = arith.addi %mul3A_10, %add3A_11 : i32
    "tpu.region"() ({
      %run_scoped3A_67 = tpu.sem_alloc : memref<!tpu.dma_semaphore, #tpu.memory_space<semaphore_mem>>
      %dma_start3A_68 = arith.constant 0 : i32
      %dma_start3A_69 = tpu.memref_slice %arg13[%add3A_12, %dma_start3A_68] : memref<10240x64xf32, #tpu.memory_space<vmem_shared>> -> memref<128x64xf32, #tpu.memory_space<vmem_shared>>
      %dma_start3A_70 = arith.constant 0 : i32
      %dma_start3A_71 = tpu.memref_slice %arg13[%add3A_12, %dma_start3A_70] : memref<10240x64xf32, #tpu.memory_space<vmem_shared>> -> memref<128x64xf32, #tpu.memory_space<vmem_shared>>
      tpu.enqueue_dma source(%arg10 : memref<128x64xf32, #tpu.memory_space<vmem>>) target(%dma_start3A_71 : memref<128x64xf32, #tpu.memory_space<vmem_shared>>) target_semaphore(%run_scoped3A_67 : memref<!tpu.dma_semaphore, #tpu.memory_space<semaphore_mem>>)
      %dma_wait3A_72 = arith.constant 0 : i32
      %dma_wait3A_73 = tpu.memref_slice %arg13[%add3A_12, %dma_wait3A_72] : memref<10240x64xf32, #tpu.memory_space<vmem_shared>> -> memref<128x64xf32, #tpu.memory_space<vmem_shared>>
      %dma_wait3A_74 = arith.constant 0 : i32
      %dma_wait3A_75 = tpu.memref_slice %arg13[%add3A_12, %dma_wait3A_74] : memref<10240x64xf32, #tpu.memory_space<vmem_shared>> -> memref<128x64xf32, #tpu.memory_space<vmem_shared>>
      tpu.wait_dma2 semaphore(%run_scoped3A_67 : memref<!tpu.dma_semaphore, #tpu.memory_space<semaphore_mem>>) src(%arg10 : memref<128x64xf32, #tpu.memory_space<vmem>>) dst(%dma_wait3A_75 : memref<128x64xf32, #tpu.memory_space<vmem_shared>>)
      tpu.yield
    }) : () -> ()
    %mul3A_13 = arith.constant 640 : i32
    %mul3A_14 = arith.muli %arg1, %mul3A_13 : i32
    %add3A_15 = arith.constant 256 : i32
    %add3A_16 = arith.addi %mul3A_14, %add3A_15 : i32
    "tpu.region"() ({
      %run_scoped3A_67 = tpu.sem_alloc : memref<!tpu.dma_semaphore, #tpu.memory_space<semaphore_mem>>
      %dma_start3A_68 = arith.constant 0 : i32
      %dma_start3A_69 = tpu.memref_slice %arg13[%add3A_16, %dma_start3A_68] : memref<10240x64xf32, #tpu.memory_space<vmem_shared>> -> memref<128x64xf32, #tpu.memory_space<vmem_shared>>
      %dma_start3A_70 = arith.constant 0 : i32
      %dma_start3A_71 = tpu.memref_slice %arg13[%add3A_16, %dma_start3A_70] : memref<10240x64xf32, #tpu.memory_space<vmem_shared>> -> memref<128x64xf32, #tpu.memory_space<vmem_shared>>
      tpu.enqueue_dma source(%arg10 : memref<128x64xf32, #tpu.memory_space<vmem>>) target(%dma_start3A_71 : memref<128x64xf32, #tpu.memory_space<vmem_shared>>) target_semaphore(%run_scoped3A_67 : memref<!tpu.dma_semaphore, #tpu.memory_space<semaphore_mem>>)
      %dma_wait3A_72 = arith.constant 0 : i32
      %dma_wait3A_73 = tpu.memref_slice %arg13[%add3A_16, %dma_wait3A_72] : memref<10240x64xf32, #tpu.memory_space<vmem_shared>> -> memref<128x64xf32, #tpu.memory_space<vmem_shared>>
      %dma_wait3A_74 = arith.constant 0 : i32
      %dma_wait3A_75 = tpu.memref_slice %arg13[%add3A_16, %dma_wait3A_74] : memref<10240x64xf32, #tpu.memory_space<vmem_shared>> -> memref<128x64xf32, #tpu.memory_space<vmem_shared>>
      tpu.wait_dma2 semaphore(%run_scoped3A_67 : memref<!tpu.dma_semaphore, #tpu.memory_space<semaphore_mem>>) src(%arg10 : memref<128x64xf32, #tpu.memory_space<vmem>>) dst(%dma_wait3A_75 : memref<128x64xf32, #tpu.memory_space<vmem_shared>>)
      tpu.yield
    }) : () -> ()
    %mul3A_17 = arith.constant 640 : i32
    %mul3A_18 = arith.muli %arg1, %mul3A_17 : i32
    %add3A_19 = arith.constant 384 : i32
    %add3A_20 = arith.addi %mul3A_18, %add3A_19 : i32
    "tpu.region"() ({
      %run_scoped3A_67 = tpu.sem_alloc : memref<!tpu.dma_semaphore, #tpu.memory_space<semaphore_mem>>
      %dma_start3A_68 = arith.constant 0 : i32
      %dma_start3A_69 = tpu.memref_slice %arg13[%add3A_20, %dma_start3A_68] : memref<10240x64xf32, #tpu.memory_space<vmem_shared>> -> memref<128x64xf32, #tpu.memory_space<vmem_shared>>
      %dma_start3A_70 = arith.constant 0 : i32
      %dma_start3A_71 = tpu.memref_slice %arg13[%add3A_20, %dma_start3A_70] : memref<10240x64xf32, #tpu.memory_space<vmem_shared>> -> memref<128x64xf32, #tpu.memory_space<vmem_shared>>
      tpu.enqueue_dma source(%arg10 : memref<128x64xf32, #tpu.memory_space<vmem>>) target(%dma_start3A_71 : memref<128x64xf32, #tpu.memory_space<vmem_shared>>) target_semaphore(%run_scoped3A_67 : memref<!tpu.dma_semaphore, #tpu.memory_space<semaphore_mem>>)
      %dma_wait3A_72 = arith.constant 0 : i32
      %dma_wait3A_73 = tpu.memref_slice %arg13[%add3A_20, %dma_wait3A_72] : memref<10240x64xf32, #tpu.memory_space<vmem_shared>> -> memref<128x64xf32, #tpu.memory_space<vmem_shared>>
      %dma_wait3A_74 = arith.constant 0 : i32
      %dma_wait3A_75 = tpu.memref_slice %arg13[%add3A_20, %dma_wait3A_74] : memref<10240x64xf32, #tpu.memory_space<vmem_shared>> -> memref<128x64xf32, #tpu.memory_space<vmem_shared>>
      tpu.wait_dma2 semaphore(%run_scoped3A_67 : memref<!tpu.dma_semaphore, #tpu.memory_space<semaphore_mem>>) src(%arg10 : memref<128x64xf32, #tpu.memory_space<vmem>>) dst(%dma_wait3A_75 : memref<128x64xf32, #tpu.memory_space<vmem_shared>>)
      tpu.yield
    }) : () -> ()
    %mul3A_21 = arith.constant 640 : i32
    %mul3A_22 = arith.muli %arg1, %mul3A_21 : i32
    %add3A_23 = arith.constant 512 : i32
    %add3A_24 = arith.addi %mul3A_22, %add3A_23 : i32
    "tpu.region"() ({
      %run_scoped3A_67 = tpu.sem_alloc : memref<!tpu.dma_semaphore, #tpu.memory_space<semaphore_mem>>
      %dma_start3A_68 = arith.constant 0 : i32
      %dma_start3A_69 = tpu.memref_slice %arg13[%add3A_24, %dma_start3A_68] : memref<10240x64xf32, #tpu.memory_space<vmem_shared>> -> memref<128x64xf32, #tpu.memory_space<vmem_shared>>
      %dma_start3A_70 = arith.constant 0 : i32
      %dma_start3A_71 = tpu.memref_slice %arg13[%add3A_24, %dma_start3A_70] : memref<10240x64xf32, #tpu.memory_space<vmem_shared>> -> memref<128x64xf32, #tpu.memory_space<vmem_shared>>
      tpu.enqueue_dma source(%arg10 : memref<128x64xf32, #tpu.memory_space<vmem>>) target(%dma_start3A_71 : memref<128x64xf32, #tpu.memory_space<vmem_shared>>) target_semaphore(%run_scoped3A_67 : memref<!tpu.dma_semaphore, #tpu.memory_space<semaphore_mem>>)
      %dma_wait3A_72 = arith.constant 0 : i32
      %dma_wait3A_73 = tpu.memref_slice %arg13[%add3A_24, %dma_wait3A_72] : memref<10240x64xf32, #tpu.memory_space<vmem_shared>> -> memref<128x64xf32, #tpu.memory_space<vmem_shared>>
      %dma_wait3A_74 = arith.constant 0 : i32
      %dma_wait3A_75 = tpu.memref_slice %arg13[%add3A_24, %dma_wait3A_74] : memref<10240x64xf32, #tpu.memory_space<vmem_shared>> -> memref<128x64xf32, #tpu.memory_space<vmem_shared>>
      tpu.wait_dma2 semaphore(%run_scoped3A_67 : memref<!tpu.dma_semaphore, #tpu.memory_space<semaphore_mem>>) src(%arg10 : memref<128x64xf32, #tpu.memory_space<vmem>>) dst(%dma_wait3A_75 : memref<128x64xf32, #tpu.memory_space<vmem_shared>>)
      tpu.yield
    }) : () -> ()
    "tpu.region"() ({
      %run_scoped3A_67 = tpu.sem_alloc : memref<!tpu.dma_semaphore, #tpu.memory_space<semaphore_mem>>
      %dma_start3A_68 = arith.constant 0 : i32
      %dma_start3A_69 = arith.constant 0 : i32
      %dma_start3A_70 = tpu.memref_slice %arg3[%arg0, %arg1, %dma_start3A_68, %dma_start3A_69] : memref<2x16x158x128xi32, #tpu.memory_space<hbm>> -> memref<1x1x158x128xi32, #tpu.memory_space<hbm>>
      %dma_start3A_71 = tpu.memref_squeeze %dma_start3A_70 : memref<1x1x158x128xi32, #tpu.memory_space<hbm>> -> memref<158x128xi32, #tpu.memory_space<hbm>>
      %dma_start3A_72 = arith.constant 0 : i32
      %dma_start3A_73 = arith.constant 0 : i32
      %dma_start3A_74 = tpu.memref_slice %arg3[%arg0, %arg1, %dma_start3A_72, %dma_start3A_73] : memref<2x16x158x128xi32, #tpu.memory_space<hbm>> -> memref<1x1x158x128xi32, #tpu.memory_space<hbm>>
      %dma_start3A_75 = tpu.memref_squeeze %dma_start3A_74 : memref<1x1x158x128xi32, #tpu.memory_space<hbm>> -> memref<158x128xi32, #tpu.memory_space<hbm>>
      tpu.enqueue_dma source(%dma_start3A_75 : memref<158x128xi32, #tpu.memory_space<hbm>>) target(%arg8 : memref<158x128xi32, #tpu.memory_space<vmem>>) target_semaphore(%run_scoped3A_67 : memref<!tpu.dma_semaphore, #tpu.memory_space<semaphore_mem>>)
      %dma_wait3A_76 = arith.constant 0 : i32
      %dma_wait3A_77 = arith.constant 0 : i32
      %dma_wait3A_78 = tpu.memref_slice %arg3[%arg0, %arg1, %dma_wait3A_76, %dma_wait3A_77] : memref<2x16x158x128xi32, #tpu.memory_space<hbm>> -> memref<1x1x158x128xi32, #tpu.memory_space<hbm>>
      %dma_wait3A_79 = tpu.memref_squeeze %dma_wait3A_78 : memref<1x1x158x128xi32, #tpu.memory_space<hbm>> -> memref<158x128xi32, #tpu.memory_space<hbm>>
      %dma_wait3A_80 = arith.constant 0 : i32
      %dma_wait3A_81 = arith.constant 0 : i32
      %dma_wait3A_82 = tpu.memref_slice %arg3[%arg0, %arg1, %dma_wait3A_80, %dma_wait3A_81] : memref<2x16x158x128xi32, #tpu.memory_space<hbm>> -> memref<1x1x158x128xi32, #tpu.memory_space<hbm>>
      %dma_wait3A_83 = tpu.memref_squeeze %dma_wait3A_82 : memref<1x1x158x128xi32, #tpu.memory_space<hbm>> -> memref<158x128xi32, #tpu.memory_space<hbm>>
      tpu.wait_dma2 semaphore(%run_scoped3A_67 : memref<!tpu.dma_semaphore, #tpu.memory_space<semaphore_mem>>) src(%dma_wait3A_83 : memref<158x128xi32, #tpu.memory_space<hbm>>) dst(%arg8 : memref<158x128xi32, #tpu.memory_space<vmem>>)
      tpu.yield
    }) : () -> ()
    "tpu.region"() ({
      %run_scoped3A_67 = tpu.sem_alloc : memref<!tpu.dma_semaphore, #tpu.memory_space<semaphore_mem>>
      %dma_start3A_68 = arith.constant 0 : i32
      %dma_start3A_69 = arith.constant 0 : i32
      %dma_start3A_70 = tpu.memref_slice %arg4[%arg1, %dma_start3A_68, %dma_start3A_69] : memref<16x158x128xi32, #tpu.memory_space<hbm>> -> memref<1x158x128xi32, #tpu.memory_space<hbm>>
      %dma_start3A_71 = tpu.memref_squeeze %dma_start3A_70 : memref<1x158x128xi32, #tpu.memory_space<hbm>> -> memref<158x128xi32, #tpu.memory_space<hbm>>
      %dma_start3A_72 = arith.constant 0 : i32
      %dma_start3A_73 = arith.constant 0 : i32
      %dma_start3A_74 = tpu.memref_slice %arg4[%arg1, %dma_start3A_72, %dma_start3A_73] : memref<16x158x128xi32, #tpu.memory_space<hbm>> -> memref<1x158x128xi32, #tpu.memory_space<hbm>>
      %dma_start3A_75 = tpu.memref_squeeze %dma_start3A_74 : memref<1x158x128xi32, #tpu.memory_space<hbm>> -> memref<158x128xi32, #tpu.memory_space<hbm>>
      tpu.enqueue_dma source(%dma_start3A_75 : memref<158x128xi32, #tpu.memory_space<hbm>>) target(%arg9 : memref<158x128xi32, #tpu.memory_space<vmem>>) target_semaphore(%run_scoped3A_67 : memref<!tpu.dma_semaphore, #tpu.memory_space<semaphore_mem>>)
      %dma_wait3A_76 = arith.constant 0 : i32
      %dma_wait3A_77 = arith.constant 0 : i32
      %dma_wait3A_78 = tpu.memref_slice %arg4[%arg1, %dma_wait3A_76, %dma_wait3A_77] : memref<16x158x128xi32, #tpu.memory_space<hbm>> -> memref<1x158x128xi32, #tpu.memory_space<hbm>>
      %dma_wait3A_79 = tpu.memref_squeeze %dma_wait3A_78 : memref<1x158x128xi32, #tpu.memory_space<hbm>> -> memref<158x128xi32, #tpu.memory_space<hbm>>
      %dma_wait3A_80 = arith.constant 0 : i32
      %dma_wait3A_81 = arith.constant 0 : i32
      %dma_wait3A_82 = tpu.memref_slice %arg4[%arg1, %dma_wait3A_80, %dma_wait3A_81] : memref<16x158x128xi32, #tpu.memory_space<hbm>> -> memref<1x158x128xi32, #tpu.memory_space<hbm>>
      %dma_wait3A_83 = tpu.memref_squeeze %dma_wait3A_82 : memref<1x158x128xi32, #tpu.memory_space<hbm>> -> memref<158x128xi32, #tpu.memory_space<hbm>>
      tpu.wait_dma2 semaphore(%run_scoped3A_67 : memref<!tpu.dma_semaphore, #tpu.memory_space<semaphore_mem>>) src(%dma_wait3A_83 : memref<158x128xi32, #tpu.memory_space<hbm>>) dst(%arg9 : memref<158x128xi32, #tpu.memory_space<vmem>>)
      tpu.yield
    }) : () -> ()
    %barrier3A = arith.constant 0 : index
    tpu.barrier barrier_id(%barrier3A)
    %dma_start3A = arith.constant 0 : i32
    %dma_start3A_25 = arith.constant 0 : i32
    %dma_start3A_26 = tpu.memref_slice %arg8[%dma_start3A, %dma_start3A_25] : memref<158x128xi32, #tpu.memory_space<vmem>> -> memref<1x128xi32, #tpu.memory_space<vmem>>
    %dma_start3A_27 = tpu.memref_squeeze %dma_start3A_26 : memref<1x128xi32, #tpu.memory_space<vmem>> -> memref<128xi32, #tpu.memory_space<vmem>>
    %dma_start3A_28 = arith.constant 0 : i32
    %dma_start3A_29 = arith.constant 0 : i32
    %dma_start3A_30 = tpu.memref_slice %arg2[%dma_start3A_28, %dma_start3A_29] : memref<20000x64xf32, #tpu.memory_space<hbm>> -> memref<20000x64xf32, #tpu.memory_space<hbm>>
    tpu.enqueue_indirect_dma source(%dma_start3A_30 : memref<20000x64xf32, #tpu.memory_space<hbm>>) target(%arg10 : memref<128x64xf32, #tpu.memory_space<vmem>>) offsets(%dma_start3A_27 : memref<128xi32, #tpu.memory_space<vmem>>) semaphore(%arg15 : memref<!tpu.dma_semaphore, #tpu.memory_space<semaphore_mem>>)
    %dma_start3A_31 = arith.constant 1 : i32
    %dma_start3A_32 = arith.constant 0 : i32
    %dma_start3A_33 = tpu.memref_slice %arg8[%dma_start3A_31, %dma_start3A_32] : memref<158x128xi32, #tpu.memory_space<vmem>> -> memref<1x128xi32, #tpu.memory_space<vmem>>
    %dma_start3A_34 = tpu.memref_squeeze %dma_start3A_33 : memref<1x128xi32, #tpu.memory_space<vmem>> -> memref<128xi32, #tpu.memory_space<vmem>>
    %dma_start3A_35 = arith.constant 0 : i32
    %dma_start3A_36 = arith.constant 0 : i32
    %dma_start3A_37 = tpu.memref_slice %arg2[%dma_start3A_35, %dma_start3A_36] : memref<20000x64xf32, #tpu.memory_space<hbm>> -> memref<20000x64xf32, #tpu.memory_space<hbm>>
    tpu.enqueue_indirect_dma source(%dma_start3A_37 : memref<20000x64xf32, #tpu.memory_space<hbm>>) target(%arg11 : memref<128x64xf32, #tpu.memory_space<vmem>>) offsets(%dma_start3A_34 : memref<128xi32, #tpu.memory_space<vmem>>) semaphore(%arg16 : memref<!tpu.dma_semaphore, #tpu.memory_space<semaphore_mem>>)
    %scan3A_38 = arith.constant 0 : i32
    %scan3A_39 = arith.constant 0 : i32
    %scan3A_40 = arith.constant 78 : i32
    %scan3A_41 = arith.addi %scan3A_39, %scan3A_40 : i32
    %scan3A_42 = arith.constant 1 : i32
    scf.for %scan3A_67 = %scan3A_39 to %scan3A_41 step %scan3A_42  : i32 {
      %mul3A_68 = arith.constant 2 : i32
      %mul3A_69 = arith.muli %scan3A_67, %mul3A_68 : i32
      %add3A_70 = arith.constant 0 : i32
      %add3A_71 = arith.addi %mul3A_69, %add3A_70 : i32
      %dma_wait3A_72 = arith.constant 0 : i32
      %dma_wait3A_73 = tpu.memref_slice %arg8[%add3A_71, %dma_wait3A_72] : memref<158x128xi32, #tpu.memory_space<vmem>> -> memref<1x128xi32, #tpu.memory_space<vmem>>
      %dma_wait3A_74 = tpu.memref_squeeze %dma_wait3A_73 : memref<1x128xi32, #tpu.memory_space<vmem>> -> memref<128xi32, #tpu.memory_space<vmem>>
      %dma_wait3A_75 = arith.constant 0 : i32
      %dma_wait3A_76 = arith.constant 0 : i32
      %dma_wait3A_77 = tpu.memref_slice %arg2[%dma_wait3A_75, %dma_wait3A_76] : memref<20000x64xf32, #tpu.memory_space<hbm>> -> memref<20000x64xf32, #tpu.memory_space<hbm>>
      tpu.wait_indirect_dma semaphore(%arg15 : memref<!tpu.dma_semaphore, #tpu.memory_space<semaphore_mem>>) src(%dma_wait3A_77 : memref<20000x64xf32, #tpu.memory_space<hbm>>) dst(%arg10 : memref<128x64xf32, #tpu.memory_space<vmem>>)
      "tpu.region"() ({
        %run_scoped3A_104 = tpu.sem_alloc : memref<!tpu.dma_semaphore, #tpu.memory_space<semaphore_mem>>
        %dma_start3A_105 = arith.constant 0 : i32
        %dma_start3A_106 = tpu.memref_slice %arg9[%add3A_71, %dma_start3A_105] : memref<158x128xi32, #tpu.memory_space<vmem>> -> memref<1x128xi32, #tpu.memory_space<vmem>>
        %dma_start3A_107 = tpu.memref_squeeze %dma_start3A_106 : memref<1x128xi32, #tpu.memory_space<vmem>> -> memref<128xi32, #tpu.memory_space<vmem>>
        %dma_start3A_108 = arith.constant 0 : i32
        %dma_start3A_109 = arith.constant 0 : i32
        %dma_start3A_110 = tpu.memref_slice %arg13[%dma_start3A_108, %dma_start3A_109] : memref<10240x64xf32, #tpu.memory_space<vmem_shared>> -> memref<10240x64xf32, #tpu.memory_space<vmem_shared>>
        tpu.enqueue_indirect_dma source(%arg10 : memref<128x64xf32, #tpu.memory_space<vmem>>) target(%dma_start3A_110 : memref<10240x64xf32, #tpu.memory_space<vmem_shared>>) offsets(%dma_start3A_107 : memref<128xi32, #tpu.memory_space<vmem>>) semaphore(%run_scoped3A_104 : memref<!tpu.dma_semaphore, #tpu.memory_space<semaphore_mem>>) {add = true}
        %dma_wait3A_111 = arith.constant 0 : i32
        %dma_wait3A_112 = tpu.memref_slice %arg9[%add3A_71, %dma_wait3A_111] : memref<158x128xi32, #tpu.memory_space<vmem>> -> memref<1x128xi32, #tpu.memory_space<vmem>>
        %dma_wait3A_113 = tpu.memref_squeeze %dma_wait3A_112 : memref<1x128xi32, #tpu.memory_space<vmem>> -> memref<128xi32, #tpu.memory_space<vmem>>
        %dma_wait3A_114 = arith.constant 0 : i32
        %dma_wait3A_115 = arith.constant 0 : i32
        %dma_wait3A_116 = tpu.memref_slice %arg13[%dma_wait3A_114, %dma_wait3A_115] : memref<10240x64xf32, #tpu.memory_space<vmem_shared>> -> memref<10240x64xf32, #tpu.memory_space<vmem_shared>>
        tpu.wait_indirect_dma semaphore(%run_scoped3A_104 : memref<!tpu.dma_semaphore, #tpu.memory_space<semaphore_mem>>) src(%arg10 : memref<128x64xf32, #tpu.memory_space<vmem>>) dst(%dma_wait3A_116 : memref<10240x64xf32, #tpu.memory_space<vmem_shared>>)
        tpu.yield
      }) : () -> ()
      "tpu.region"() ({
        %run_scoped3A_104 = tpu.sem_alloc : memref<!tpu.dma_semaphore, #tpu.memory_space<semaphore_mem>>
        %dma_start3A_105 = arith.constant 640 : i32
        %dma_start3A_106 = arith.constant 0 : i32
        %dma_start3A_107 = tpu.memref_slice %arg12[%dma_start3A_105, %dma_start3A_106] : memref<768x8xf32, #tpu.memory_space<vmem>> -> memref<128x8xf32, #tpu.memory_space<vmem>>
        %dma_start3A_108 = arith.constant 0 : i32
        %dma_start3A_109 = tpu.memref_slice %arg9[%add3A_71, %dma_start3A_108] : memref<158x128xi32, #tpu.memory_space<vmem>> -> memref<1x128xi32, #tpu.memory_space<vmem>>
        %dma_start3A_110 = tpu.memref_squeeze %dma_start3A_109 : memref<1x128xi32, #tpu.memory_space<vmem>> -> memref<128xi32, #tpu.memory_space<vmem>>
        %dma_start3A_111 = arith.constant 0 : i32
        %dma_start3A_112 = arith.constant 0 : i32
        %dma_start3A_113 = tpu.memref_slice %arg14[%dma_start3A_111, %dma_start3A_112] : memref<10240x8xf32, #tpu.memory_space<vmem_shared>> -> memref<10240x8xf32, #tpu.memory_space<vmem_shared>>
        tpu.enqueue_indirect_dma source(%dma_start3A_107 : memref<128x8xf32, #tpu.memory_space<vmem>>) target(%dma_start3A_113 : memref<10240x8xf32, #tpu.memory_space<vmem_shared>>) offsets(%dma_start3A_110 : memref<128xi32, #tpu.memory_space<vmem>>) semaphore(%run_scoped3A_104 : memref<!tpu.dma_semaphore, #tpu.memory_space<semaphore_mem>>) {add = true}
        %dma_wait3A_114 = arith.constant 640 : i32
        %dma_wait3A_115 = arith.constant 0 : i32
        %dma_wait3A_116 = tpu.memref_slice %arg12[%dma_wait3A_114, %dma_wait3A_115] : memref<768x8xf32, #tpu.memory_space<vmem>> -> memref<128x8xf32, #tpu.memory_space<vmem>>
        %dma_wait3A_117 = arith.constant 0 : i32
        %dma_wait3A_118 = tpu.memref_slice %arg9[%add3A_71, %dma_wait3A_117] : memref<158x128xi32, #tpu.memory_space<vmem>> -> memref<1x128xi32, #tpu.memory_space<vmem>>
        %dma_wait3A_119 = tpu.memref_squeeze %dma_wait3A_118 : memref<1x128xi32, #tpu.memory_space<vmem>> -> memref<128xi32, #tpu.memory_space<vmem>>
        %dma_wait3A_120 = arith.constant 0 : i32
        %dma_wait3A_121 = arith.constant 0 : i32
        %dma_wait3A_122 = tpu.memref_slice %arg14[%dma_wait3A_120, %dma_wait3A_121] : memref<10240x8xf32, #tpu.memory_space<vmem_shared>> -> memref<10240x8xf32, #tpu.memory_space<vmem_shared>>
        tpu.wait_indirect_dma semaphore(%run_scoped3A_104 : memref<!tpu.dma_semaphore, #tpu.memory_space<semaphore_mem>>) src(%dma_wait3A_116 : memref<128x8xf32, #tpu.memory_space<vmem>>) dst(%dma_wait3A_122 : memref<10240x8xf32, #tpu.memory_space<vmem_shared>>)
        tpu.yield
      }) : () -> ()
      %add3A_78 = arith.constant 2 : i32
      %add3A_79 = arith.addi %add3A_71, %add3A_78 : i32
      %dma_start3A_80 = arith.constant 0 : i32
      %dma_start3A_81 = tpu.memref_slice %arg8[%add3A_79, %dma_start3A_80] : memref<158x128xi32, #tpu.memory_space<vmem>> -> memref<1x128xi32, #tpu.memory_space<vmem>>
      %dma_start3A_82 = tpu.memref_squeeze %dma_start3A_81 : memref<1x128xi32, #tpu.memory_space<vmem>> -> memref<128xi32, #tpu.memory_space<vmem>>
      %dma_start3A_83 = arith.constant 0 : i32
      %dma_start3A_84 = arith.constant 0 : i32
      %dma_start3A_85 = tpu.memref_slice %arg2[%dma_start3A_83, %dma_start3A_84] : memref<20000x64xf32, #tpu.memory_space<hbm>> -> memref<20000x64xf32, #tpu.memory_space<hbm>>
      tpu.enqueue_indirect_dma source(%dma_start3A_85 : memref<20000x64xf32, #tpu.memory_space<hbm>>) target(%arg10 : memref<128x64xf32, #tpu.memory_space<vmem>>) offsets(%dma_start3A_82 : memref<128xi32, #tpu.memory_space<vmem>>) semaphore(%arg15 : memref<!tpu.dma_semaphore, #tpu.memory_space<semaphore_mem>>)
      %mul3A_86 = arith.constant 2 : i32
      %mul3A_87 = arith.muli %scan3A_67, %mul3A_86 : i32
      %add3A_88 = arith.constant 1 : i32
      %add3A_89 = arith.addi %mul3A_87, %add3A_88 : i32
      %dma_wait3A_90 = arith.constant 0 : i32
      %dma_wait3A_91 = tpu.memref_slice %arg8[%add3A_89, %dma_wait3A_90] : memref<158x128xi32, #tpu.memory_space<vmem>> -> memref<1x128xi32, #tpu.memory_space<vmem>>
      %dma_wait3A_92 = tpu.memref_squeeze %dma_wait3A_91 : memref<1x128xi32, #tpu.memory_space<vmem>> -> memref<128xi32, #tpu.memory_space<vmem>>
      %dma_wait3A_93 = arith.constant 0 : i32
      %dma_wait3A_94 = arith.constant 0 : i32
      %dma_wait3A_95 = tpu.memref_slice %arg2[%dma_wait3A_93, %dma_wait3A_94] : memref<20000x64xf32, #tpu.memory_space<hbm>> -> memref<20000x64xf32, #tpu.memory_space<hbm>>
      tpu.wait_indirect_dma semaphore(%arg16 : memref<!tpu.dma_semaphore, #tpu.memory_space<semaphore_mem>>) src(%dma_wait3A_95 : memref<20000x64xf32, #tpu.memory_space<hbm>>) dst(%arg11 : memref<128x64xf32, #tpu.memory_space<vmem>>)
      "tpu.region"() ({
        %run_scoped3A_104 = tpu.sem_alloc : memref<!tpu.dma_semaphore, #tpu.memory_space<semaphore_mem>>
        %dma_start3A_105 = arith.constant 0 : i32
        %dma_start3A_106 = tpu.memref_slice %arg9[%add3A_89, %dma_start3A_105] : memref<158x128xi32, #tpu.memory_space<vmem>> -> memref<1x128xi32, #tpu.memory_space<vmem>>
        %dma_start3A_107 = tpu.memref_squeeze %dma_start3A_106 : memref<1x128xi32, #tpu.memory_space<vmem>> -> memref<128xi32, #tpu.memory_space<vmem>>
        %dma_start3A_108 = arith.constant 0 : i32
        %dma_start3A_109 = arith.constant 0 : i32
        %dma_start3A_110 = tpu.memref_slice %arg13[%dma_start3A_108, %dma_start3A_109] : memref<10240x64xf32, #tpu.memory_space<vmem_shared>> -> memref<10240x64xf32, #tpu.memory_space<vmem_shared>>
        tpu.enqueue_indirect_dma source(%arg11 : memref<128x64xf32, #tpu.memory_space<vmem>>) target(%dma_start3A_110 : memref<10240x64xf32, #tpu.memory_space<vmem_shared>>) offsets(%dma_start3A_107 : memref<128xi32, #tpu.memory_space<vmem>>) semaphore(%run_scoped3A_104 : memref<!tpu.dma_semaphore, #tpu.memory_space<semaphore_mem>>) {add = true}
        %dma_wait3A_111 = arith.constant 0 : i32
        %dma_wait3A_112 = tpu.memref_slice %arg9[%add3A_89, %dma_wait3A_111] : memref<158x128xi32, #tpu.memory_space<vmem>> -> memref<1x128xi32, #tpu.memory_space<vmem>>
        %dma_wait3A_113 = tpu.memref_squeeze %dma_wait3A_112 : memref<1x128xi32, #tpu.memory_space<vmem>> -> memref<128xi32, #tpu.memory_space<vmem>>
        %dma_wait3A_114 = arith.constant 0 : i32
        %dma_wait3A_115 = arith.constant 0 : i32
        %dma_wait3A_116 = tpu.memref_slice %arg13[%dma_wait3A_114, %dma_wait3A_115] : memref<10240x64xf32, #tpu.memory_space<vmem_shared>> -> memref<10240x64xf32, #tpu.memory_space<vmem_shared>>
        tpu.wait_indirect_dma semaphore(%run_scoped3A_104 : memref<!tpu.dma_semaphore, #tpu.memory_space<semaphore_mem>>) src(%arg11 : memref<128x64xf32, #tpu.memory_space<vmem>>) dst(%dma_wait3A_116 : memref<10240x64xf32, #tpu.memory_space<vmem_shared>>)
        tpu.yield
      }) : () -> ()
      "tpu.region"() ({
        %run_scoped3A_104 = tpu.sem_alloc : memref<!tpu.dma_semaphore, #tpu.memory_space<semaphore_mem>>
        %dma_start3A_105 = arith.constant 640 : i32
        %dma_start3A_106 = arith.constant 0 : i32
        %dma_start3A_107 = tpu.memref_slice %arg12[%dma_start3A_105, %dma_start3A_106] : memref<768x8xf32, #tpu.memory_space<vmem>> -> memref<128x8xf32, #tpu.memory_space<vmem>>
        %dma_start3A_108 = arith.constant 0 : i32
        %dma_start3A_109 = tpu.memref_slice %arg9[%add3A_89, %dma_start3A_108] : memref<158x128xi32, #tpu.memory_space<vmem>> -> memref<1x128xi32, #tpu.memory_space<vmem>>
        %dma_start3A_110 = tpu.memref_squeeze %dma_start3A_109 : memref<1x128xi32, #tpu.memory_space<vmem>> -> memref<128xi32, #tpu.memory_space<vmem>>
        %dma_start3A_111 = arith.constant 0 : i32
        %dma_start3A_112 = arith.constant 0 : i32
        %dma_start3A_113 = tpu.memref_slice %arg14[%dma_start3A_111, %dma_start3A_112] : memref<10240x8xf32, #tpu.memory_space<vmem_shared>> -> memref<10240x8xf32, #tpu.memory_space<vmem_shared>>
        tpu.enqueue_indirect_dma source(%dma_start3A_107 : memref<128x8xf32, #tpu.memory_space<vmem>>) target(%dma_start3A_113 : memref<10240x8xf32, #tpu.memory_space<vmem_shared>>) offsets(%dma_start3A_110 : memref<128xi32, #tpu.memory_space<vmem>>) semaphore(%run_scoped3A_104 : memref<!tpu.dma_semaphore, #tpu.memory_space<semaphore_mem>>) {add = true}
        %dma_wait3A_114 = arith.constant 640 : i32
        %dma_wait3A_115 = arith.constant 0 : i32
        %dma_wait3A_116 = tpu.memref_slice %arg12[%dma_wait3A_114, %dma_wait3A_115] : memref<768x8xf32, #tpu.memory_space<vmem>> -> memref<128x8xf32, #tpu.memory_space<vmem>>
        %dma_wait3A_117 = arith.constant 0 : i32
        %dma_wait3A_118 = tpu.memref_slice %arg9[%add3A_89, %dma_wait3A_117] : memref<158x128xi32, #tpu.memory_space<vmem>> -> memref<1x128xi32, #tpu.memory_space<vmem>>
        %dma_wait3A_119 = tpu.memref_squeeze %dma_wait3A_118 : memref<1x128xi32, #tpu.memory_space<vmem>> -> memref<128xi32, #tpu.memory_space<vmem>>
        %dma_wait3A_120 = arith.constant 0 : i32
        %dma_wait3A_121 = arith.constant 0 : i32
        %dma_wait3A_122 = tpu.memref_slice %arg14[%dma_wait3A_120, %dma_wait3A_121] : memref<10240x8xf32, #tpu.memory_space<vmem_shared>> -> memref<10240x8xf32, #tpu.memory_space<vmem_shared>>
        tpu.wait_indirect_dma semaphore(%run_scoped3A_104 : memref<!tpu.dma_semaphore, #tpu.memory_space<semaphore_mem>>) src(%dma_wait3A_116 : memref<128x8xf32, #tpu.memory_space<vmem>>) dst(%dma_wait3A_122 : memref<10240x8xf32, #tpu.memory_space<vmem_shared>>)
        tpu.yield
      }) : () -> ()
      %add3A_96 = arith.constant 2 : i32
      %add3A_97 = arith.addi %add3A_89, %add3A_96 : i32
      %dma_start3A_98 = arith.constant 0 : i32
      %dma_start3A_99 = tpu.memref_slice %arg8[%add3A_97, %dma_start3A_98] : memref<158x128xi32, #tpu.memory_space<vmem>> -> memref<1x128xi32, #tpu.memory_space<vmem>>
      %dma_start3A_100 = tpu.memref_squeeze %dma_start3A_99 : memref<1x128xi32, #tpu.memory_space<vmem>> -> memref<128xi32, #tpu.memory_space<vmem>>
      %dma_start3A_101 = arith.constant 0 : i32
      %dma_start3A_102 = arith.constant 0 : i32
      %dma_start3A_103 = tpu.memref_slice %arg2[%dma_start3A_101, %dma_start3A_102] : memref<20000x64xf32, #tpu.memory_space<hbm>> -> memref<20000x64xf32, #tpu.memory_space<hbm>>
      tpu.enqueue_indirect_dma source(%dma_start3A_103 : memref<20000x64xf32, #tpu.memory_space<hbm>>) target(%arg11 : memref<128x64xf32, #tpu.memory_space<vmem>>) offsets(%dma_start3A_100 : memref<128xi32, #tpu.memory_space<vmem>>) semaphore(%arg16 : memref<!tpu.dma_semaphore, #tpu.memory_space<semaphore_mem>>)
    }
    %scan3A_43 = arith.constant 78 : i32
    %dma_wait3A = arith.constant 156 : i32
    %dma_wait3A_44 = arith.constant 0 : i32
    %dma_wait3A_45 = tpu.memref_slice %arg8[%dma_wait3A, %dma_wait3A_44] : memref<158x128xi32, #tpu.memory_space<vmem>> -> memref<1x128xi32, #tpu.memory_space<vmem>>
    %dma_wait3A_46 = tpu.memref_squeeze %dma_wait3A_45 : memref<1x128xi32, #tpu.memory_space<vmem>> -> memref<128xi32, #tpu.memory_space<vmem>>
    %dma_wait3A_47 = arith.constant 0 : i32
    %dma_wait3A_48 = arith.constant 0 : i32
    %dma_wait3A_49 = tpu.memref_slice %arg2[%dma_wait3A_47, %dma_wait3A_48] : memref<20000x64xf32, #tpu.memory_space<hbm>> -> memref<20000x64xf32, #tpu.memory_space<hbm>>
    tpu.wait_indirect_dma semaphore(%arg15 : memref<!tpu.dma_semaphore, #tpu.memory_space<semaphore_mem>>) src(%dma_wait3A_49 : memref<20000x64xf32, #tpu.memory_space<hbm>>) dst(%arg10 : memref<128x64xf32, #tpu.memory_space<vmem>>)
    %run_scoped3A = arith.constant 156 : i32
    "tpu.region"() ({
      %run_scoped3A_67 = tpu.sem_alloc : memref<!tpu.dma_semaphore, #tpu.memory_space<semaphore_mem>>
      %dma_start3A_68 = arith.constant 0 : i32
      %dma_start3A_69 = tpu.memref_slice %arg9[%run_scoped3A, %dma_start3A_68] : memref<158x128xi32, #tpu.memory_space<vmem>> -> memref<1x128xi32, #tpu.memory_space<vmem>>
      %dma_start3A_70 = tpu.memref_squeeze %dma_start3A_69 : memref<1x128xi32, #tpu.memory_space<vmem>> -> memref<128xi32, #tpu.memory_space<vmem>>
      %dma_start3A_71 = arith.constant 0 : i32
      %dma_start3A_72 = arith.constant 0 : i32
      %dma_start3A_73 = tpu.memref_slice %arg13[%dma_start3A_71, %dma_start3A_72] : memref<10240x64xf32, #tpu.memory_space<vmem_shared>> -> memref<10240x64xf32, #tpu.memory_space<vmem_shared>>
      tpu.enqueue_indirect_dma source(%arg10 : memref<128x64xf32, #tpu.memory_space<vmem>>) target(%dma_start3A_73 : memref<10240x64xf32, #tpu.memory_space<vmem_shared>>) offsets(%dma_start3A_70 : memref<128xi32, #tpu.memory_space<vmem>>) semaphore(%run_scoped3A_67 : memref<!tpu.dma_semaphore, #tpu.memory_space<semaphore_mem>>) {add = true}
      %dma_wait3A_74 = arith.constant 0 : i32
      %dma_wait3A_75 = tpu.memref_slice %arg9[%run_scoped3A, %dma_wait3A_74] : memref<158x128xi32, #tpu.memory_space<vmem>> -> memref<1x128xi32, #tpu.memory_space<vmem>>
      %dma_wait3A_76 = tpu.memref_squeeze %dma_wait3A_75 : memref<1x128xi32, #tpu.memory_space<vmem>> -> memref<128xi32, #tpu.memory_space<vmem>>
      %dma_wait3A_77 = arith.constant 0 : i32
      %dma_wait3A_78 = arith.constant 0 : i32
      %dma_wait3A_79 = tpu.memref_slice %arg13[%dma_wait3A_77, %dma_wait3A_78] : memref<10240x64xf32, #tpu.memory_space<vmem_shared>> -> memref<10240x64xf32, #tpu.memory_space<vmem_shared>>
      tpu.wait_indirect_dma semaphore(%run_scoped3A_67 : memref<!tpu.dma_semaphore, #tpu.memory_space<semaphore_mem>>) src(%arg10 : memref<128x64xf32, #tpu.memory_space<vmem>>) dst(%dma_wait3A_79 : memref<10240x64xf32, #tpu.memory_space<vmem_shared>>)
      tpu.yield
    }) : () -> ()
    %run_scoped3A_50 = arith.constant 156 : i32
    "tpu.region"() ({
      %run_scoped3A_67 = tpu.sem_alloc : memref<!tpu.dma_semaphore, #tpu.memory_space<semaphore_mem>>
      %dma_start3A_68 = arith.constant 640 : i32
      %dma_start3A_69 = arith.constant 0 : i32
      %dma_start3A_70 = tpu.memref_slice %arg12[%dma_start3A_68, %dma_start3A_69] : memref<768x8xf32, #tpu.memory_space<vmem>> -> memref<128x8xf32, #tpu.memory_space<vmem>>
      %dma_start3A_71 = arith.constant 0 : i32
      %dma_start3A_72 = tpu.memref_slice %arg9[%run_scoped3A_50, %dma_start3A_71] : memref<158x128xi32, #tpu.memory_space<vmem>> -> memref<1x128xi32, #tpu.memory_space<vmem>>
      %dma_start3A_73 = tpu.memref_squeeze %dma_start3A_72 : memref<1x128xi32, #tpu.memory_space<vmem>> -> memref<128xi32, #tpu.memory_space<vmem>>
      %dma_start3A_74 = arith.constant 0 : i32
      %dma_start3A_75 = arith.constant 0 : i32
      %dma_start3A_76 = tpu.memref_slice %arg14[%dma_start3A_74, %dma_start3A_75] : memref<10240x8xf32, #tpu.memory_space<vmem_shared>> -> memref<10240x8xf32, #tpu.memory_space<vmem_shared>>
      tpu.enqueue_indirect_dma source(%dma_start3A_70 : memref<128x8xf32, #tpu.memory_space<vmem>>) target(%dma_start3A_76 : memref<10240x8xf32, #tpu.memory_space<vmem_shared>>) offsets(%dma_start3A_73 : memref<128xi32, #tpu.memory_space<vmem>>) semaphore(%run_scoped3A_67 : memref<!tpu.dma_semaphore, #tpu.memory_space<semaphore_mem>>) {add = true}
      %dma_wait3A_77 = arith.constant 640 : i32
      %dma_wait3A_78 = arith.constant 0 : i32
      %dma_wait3A_79 = tpu.memref_slice %arg12[%dma_wait3A_77, %dma_wait3A_78] : memref<768x8xf32, #tpu.memory_space<vmem>> -> memref<128x8xf32, #tpu.memory_space<vmem>>
      %dma_wait3A_80 = arith.constant 0 : i32
      %dma_wait3A_81 = tpu.memref_slice %arg9[%run_scoped3A_50, %dma_wait3A_80] : memref<158x128xi32, #tpu.memory_space<vmem>> -> memref<1x128xi32, #tpu.memory_space<vmem>>
      %dma_wait3A_82 = tpu.memref_squeeze %dma_wait3A_81 : memref<1x128xi32, #tpu.memory_space<vmem>> -> memref<128xi32, #tpu.memory_space<vmem>>
      %dma_wait3A_83 = arith.constant 0 : i32
      %dma_wait3A_84 = arith.constant 0 : i32
      %dma_wait3A_85 = tpu.memref_slice %arg14[%dma_wait3A_83, %dma_wait3A_84] : memref<10240x8xf32, #tpu.memory_space<vmem_shared>> -> memref<10240x8xf32, #tpu.memory_space<vmem_shared>>
      tpu.wait_indirect_dma semaphore(%run_scoped3A_67 : memref<!tpu.dma_semaphore, #tpu.memory_space<semaphore_mem>>) src(%dma_wait3A_79 : memref<128x8xf32, #tpu.memory_space<vmem>>) dst(%dma_wait3A_85 : memref<10240x8xf32, #tpu.memory_space<vmem_shared>>)
      tpu.yield
    }) : () -> ()
    %dma_wait3A_51 = arith.constant 157 : i32
    %dma_wait3A_52 = arith.constant 0 : i32
    %dma_wait3A_53 = tpu.memref_slice %arg8[%dma_wait3A_51, %dma_wait3A_52] : memref<158x128xi32, #tpu.memory_space<vmem>> -> memref<1x128xi32, #tpu.memory_space<vmem>>
    %dma_wait3A_54 = tpu.memref_squeeze %dma_wait3A_53 : memref<1x128xi32, #tpu.memory_space<vmem>> -> memref<128xi32, #tpu.memory_space<vmem>>
    %dma_wait3A_55 = arith.constant 0 : i32
    %dma_wait3A_56 = arith.constant 0 : i32
    %dma_wait3A_57 = tpu.memref_slice %arg2[%dma_wait3A_55, %dma_wait3A_56] : memref<20000x64xf32, #tpu.memory_space<hbm>> -> memref<20000x64xf32, #tpu.memory_space<hbm>>
    tpu.wait_indirect_dma semaphore(%arg16 : memref<!tpu.dma_semaphore, #tpu.memory_space<semaphore_mem>>) src(%dma_wait3A_57 : memref<20000x64xf32, #tpu.memory_space<hbm>>) dst(%arg11 : memref<128x64xf32, #tpu.memory_space<vmem>>)
    %run_scoped3A_58 = arith.constant 157 : i32
    "tpu.region"() ({
      %run_scoped3A_67 = tpu.sem_alloc : memref<!tpu.dma_semaphore, #tpu.memory_space<semaphore_mem>>
      %dma_start3A_68 = arith.constant 0 : i32
      %dma_start3A_69 = tpu.memref_slice %arg9[%run_scoped3A_58, %dma_start3A_68] : memref<158x128xi32, #tpu.memory_space<vmem>> -> memref<1x128xi32, #tpu.memory_space<vmem>>
      %dma_start3A_70 = tpu.memref_squeeze %dma_start3A_69 : memref<1x128xi32, #tpu.memory_space<vmem>> -> memref<128xi32, #tpu.memory_space<vmem>>
      %dma_start3A_71 = arith.constant 0 : i32
      %dma_start3A_72 = arith.constant 0 : i32
      %dma_start3A_73 = tpu.memref_slice %arg13[%dma_start3A_71, %dma_start3A_72] : memref<10240x64xf32, #tpu.memory_space<vmem_shared>> -> memref<10240x64xf32, #tpu.memory_space<vmem_shared>>
      tpu.enqueue_indirect_dma source(%arg11 : memref<128x64xf32, #tpu.memory_space<vmem>>) target(%dma_start3A_73 : memref<10240x64xf32, #tpu.memory_space<vmem_shared>>) offsets(%dma_start3A_70 : memref<128xi32, #tpu.memory_space<vmem>>) semaphore(%run_scoped3A_67 : memref<!tpu.dma_semaphore, #tpu.memory_space<semaphore_mem>>) {add = true}
      %dma_wait3A_74 = arith.constant 0 : i32
      %dma_wait3A_75 = tpu.memref_slice %arg9[%run_scoped3A_58, %dma_wait3A_74] : memref<158x128xi32, #tpu.memory_space<vmem>> -> memref<1x128xi32, #tpu.memory_space<vmem>>
      %dma_wait3A_76 = tpu.memref_squeeze %dma_wait3A_75 : memref<1x128xi32, #tpu.memory_space<vmem>> -> memref<128xi32, #tpu.memory_space<vmem>>
      %dma_wait3A_77 = arith.constant 0 : i32
      %dma_wait3A_78 = arith.constant 0 : i32
      %dma_wait3A_79 = tpu.memref_slice %arg13[%dma_wait3A_77, %dma_wait3A_78] : memref<10240x64xf32, #tpu.memory_space<vmem_shared>> -> memref<10240x64xf32, #tpu.memory_space<vmem_shared>>
      tpu.wait_indirect_dma semaphore(%run_scoped3A_67 : memref<!tpu.dma_semaphore, #tpu.memory_space<semaphore_mem>>) src(%arg11 : memref<128x64xf32, #tpu.memory_space<vmem>>) dst(%dma_wait3A_79 : memref<10240x64xf32, #tpu.memory_space<vmem_shared>>)
      tpu.yield
    }) : () -> ()
    %run_scoped3A_59 = arith.constant 157 : i32
    "tpu.region"() ({
      %run_scoped3A_67 = tpu.sem_alloc : memref<!tpu.dma_semaphore, #tpu.memory_space<semaphore_mem>>
      %dma_start3A_68 = arith.constant 640 : i32
      %dma_start3A_69 = arith.constant 0 : i32
      %dma_start3A_70 = tpu.memref_slice %arg12[%dma_start3A_68, %dma_start3A_69] : memref<768x8xf32, #tpu.memory_space<vmem>> -> memref<128x8xf32, #tpu.memory_space<vmem>>
      %dma_start3A_71 = arith.constant 0 : i32
      %dma_start3A_72 = tpu.memref_slice %arg9[%run_scoped3A_59, %dma_start3A_71] : memref<158x128xi32, #tpu.memory_space<vmem>> -> memref<1x128xi32, #tpu.memory_space<vmem>>
      %dma_start3A_73 = tpu.memref_squeeze %dma_start3A_72 : memref<1x128xi32, #tpu.memory_space<vmem>> -> memref<128xi32, #tpu.memory_space<vmem>>
      %dma_start3A_74 = arith.constant 0 : i32
      %dma_start3A_75 = arith.constant 0 : i32
      %dma_start3A_76 = tpu.memref_slice %arg14[%dma_start3A_74, %dma_start3A_75] : memref<10240x8xf32, #tpu.memory_space<vmem_shared>> -> memref<10240x8xf32, #tpu.memory_space<vmem_shared>>
      tpu.enqueue_indirect_dma source(%dma_start3A_70 : memref<128x8xf32, #tpu.memory_space<vmem>>) target(%dma_start3A_76 : memref<10240x8xf32, #tpu.memory_space<vmem_shared>>) offsets(%dma_start3A_73 : memref<128xi32, #tpu.memory_space<vmem>>) semaphore(%run_scoped3A_67 : memref<!tpu.dma_semaphore, #tpu.memory_space<semaphore_mem>>) {add = true}
      %dma_wait3A_77 = arith.constant 640 : i32
      %dma_wait3A_78 = arith.constant 0 : i32
      %dma_wait3A_79 = tpu.memref_slice %arg12[%dma_wait3A_77, %dma_wait3A_78] : memref<768x8xf32, #tpu.memory_space<vmem>> -> memref<128x8xf32, #tpu.memory_space<vmem>>
      %dma_wait3A_80 = arith.constant 0 : i32
      %dma_wait3A_81 = tpu.memref_slice %arg9[%run_scoped3A_59, %dma_wait3A_80] : memref<158x128xi32, #tpu.memory_space<vmem>> -> memref<1x128xi32, #tpu.memory_space<vmem>>
      %dma_wait3A_82 = tpu.memref_squeeze %dma_wait3A_81 : memref<1x128xi32, #tpu.memory_space<vmem>> -> memref<128xi32, #tpu.memory_space<vmem>>
      %dma_wait3A_83 = arith.constant 0 : i32
      %dma_wait3A_84 = arith.constant 0 : i32
      %dma_wait3A_85 = tpu.memref_slice %arg14[%dma_wait3A_83, %dma_wait3A_84] : memref<10240x8xf32, #tpu.memory_space<vmem_shared>> -> memref<10240x8xf32, #tpu.memory_space<vmem_shared>>
      tpu.wait_indirect_dma semaphore(%run_scoped3A_67 : memref<!tpu.dma_semaphore, #tpu.memory_space<semaphore_mem>>) src(%dma_wait3A_79 : memref<128x8xf32, #tpu.memory_space<vmem>>) dst(%dma_wait3A_85 : memref<10240x8xf32, #tpu.memory_space<vmem_shared>>)
      tpu.yield
    }) : () -> ()
    %barrier3A_60 = arith.constant 0 : index
    tpu.barrier barrier_id(%barrier3A_60)
    %mul3A_61 = arith.constant 640 : i32
    %mul3A_62 = arith.muli %arg1, %mul3A_61 : i32
    %mul3A_63 = arith.constant 640 : i32
    %mul3A_64 = arith.muli %arg1, %mul3A_63 : i32
    "tpu.region"() ({
      %run_scoped3A_67 = tpu.sem_alloc : memref<!tpu.dma_semaphore, #tpu.memory_space<semaphore_mem>>
      %dma_start3A_68 = arith.constant 0 : i32
      %dma_start3A_69 = tpu.memref_slice %arg6[%arg0, %mul3A_64, %dma_start3A_68] : memref<2x10240x64xf32, #tpu.memory_space<hbm>> -> memref<1x640x64xf32, #tpu.memory_space<hbm>>
      %dma_start3A_70 = tpu.memref_squeeze %dma_start3A_69 : memref<1x640x64xf32, #tpu.memory_space<hbm>> -> memref<640x64xf32, #tpu.memory_space<hbm>>
      %dma_start3A_71 = arith.constant 0 : i32
      %dma_start3A_72 = tpu.memref_slice %arg13[%mul3A_62, %dma_start3A_71] : memref<10240x64xf32, #tpu.memory_space<vmem_shared>> -> memref<640x64xf32, #tpu.memory_space<vmem_shared>>
      tpu.enqueue_dma source(%dma_start3A_72 : memref<640x64xf32, #tpu.memory_space<vmem_shared>>) target(%dma_start3A_70 : memref<640x64xf32, #tpu.memory_space<hbm>>) target_semaphore(%run_scoped3A_67 : memref<!tpu.dma_semaphore, #tpu.memory_space<semaphore_mem>>)
      %dma_wait3A_73 = arith.constant 0 : i32
      %dma_wait3A_74 = tpu.memref_slice %arg6[%arg0, %mul3A_64, %dma_wait3A_73] : memref<2x10240x64xf32, #tpu.memory_space<hbm>> -> memref<1x640x64xf32, #tpu.memory_space<hbm>>
      %dma_wait3A_75 = tpu.memref_squeeze %dma_wait3A_74 : memref<1x640x64xf32, #tpu.memory_space<hbm>> -> memref<640x64xf32, #tpu.memory_space<hbm>>
      %dma_wait3A_76 = arith.constant 0 : i32
      %dma_wait3A_77 = tpu.memref_slice %arg13[%mul3A_62, %dma_wait3A_76] : memref<10240x64xf32, #tpu.memory_space<vmem_shared>> -> memref<640x64xf32, #tpu.memory_space<vmem_shared>>
      tpu.wait_dma2 semaphore(%run_scoped3A_67 : memref<!tpu.dma_semaphore, #tpu.memory_space<semaphore_mem>>) src(%dma_wait3A_77 : memref<640x64xf32, #tpu.memory_space<vmem_shared>>) dst(%dma_wait3A_75 : memref<640x64xf32, #tpu.memory_space<hbm>>)
      tpu.yield
    }) : () -> ()
    %eq3A = arith.constant 0 : i32
    %eq3A_65 = arith.cmpi eq, %arg0, %eq3A : i32
    %convert_element_type3A = arith.extui %eq3A_65 : i1 to i32
    %cond3A = arith.constant 0 : i32
    %cond3A_66 = arith.cmpi ne, %convert_element_type3A, %cond3A : i32
    scf.if %cond3A_66 {
      %mul3A_67 = arith.constant 640 : i32
      %mul3A_68 = arith.muli %arg1, %mul3A_67 : i32
      %mul3A_69 = arith.constant 640 : i32
      %mul3A_70 = arith.muli %arg1, %mul3A_69 : i32
      "tpu.region"() ({
        %run_scoped3A_71 = tpu.sem_alloc : memref<!tpu.dma_semaphore, #tpu.memory_space<semaphore_mem>>
        %dma_start3A_72 = arith.constant 0 : i32
        %dma_start3A_73 = tpu.memref_slice %arg7[%mul3A_70, %dma_start3A_72] : memref<10240x8xf32, #tpu.memory_space<hbm>> -> memref<640x8xf32, #tpu.memory_space<hbm>>
        %dma_start3A_74 = arith.constant 0 : i32
        %dma_start3A_75 = tpu.memref_slice %arg14[%mul3A_68, %dma_start3A_74] : memref<10240x8xf32, #tpu.memory_space<vmem_shared>> -> memref<640x8xf32, #tpu.memory_space<vmem_shared>>
        tpu.enqueue_dma source(%dma_start3A_75 : memref<640x8xf32, #tpu.memory_space<vmem_shared>>) target(%dma_start3A_73 : memref<640x8xf32, #tpu.memory_space<hbm>>) target_semaphore(%run_scoped3A_71 : memref<!tpu.dma_semaphore, #tpu.memory_space<semaphore_mem>>)
        %dma_wait3A_76 = arith.constant 0 : i32
        %dma_wait3A_77 = tpu.memref_slice %arg7[%mul3A_70, %dma_wait3A_76] : memref<10240x8xf32, #tpu.memory_space<hbm>> -> memref<640x8xf32, #tpu.memory_space<hbm>>
        %dma_wait3A_78 = arith.constant 0 : i32
        %dma_wait3A_79 = tpu.memref_slice %arg14[%mul3A_68, %dma_wait3A_78] : memref<10240x8xf32, #tpu.memory_space<vmem_shared>> -> memref<640x8xf32, #tpu.memory_space<vmem_shared>>
        tpu.wait_dma2 semaphore(%run_scoped3A_71 : memref<!tpu.dma_semaphore, #tpu.memory_space<semaphore_mem>>) src(%dma_wait3A_79 : memref<640x8xf32, #tpu.memory_space<vmem_shared>>) dst(%dma_wait3A_77 : memref<640x8xf32, #tpu.memory_space<hbm>>)
        tpu.yield
      }) : () -> ()
    } else {
    }
    return
  }
}

module attributes {stable_mosaic.version = 14 : i64} {
  func.func @_tc_sage_body(%arg0: i32, %arg1: memref<2000x128xf32, #tpu.memory_space<vmem>>, %arg2: memref<2x2000x64xf32, #tpu.memory_space<vmem>>, %arg3: memref<2000x8xf32, #tpu.memory_space<vmem>>, %arg4: memref<2x128x128xf32, #tpu.memory_space<vmem>>, %arg5: memref<2x128x128xf32, #tpu.memory_space<vmem>>, %arg6: memref<2x128xf32, #tpu.memory_space<vmem>>, %arg7: memref<1x1xf32, #tpu.memory_space<vmem>>, %arg8: memref<2000x128xf32, #tpu.memory_space<vmem>>) attributes {dimension_semantics = [#tpu.dimension_semantics<arbitrary>], iteration_bounds = array<i64: 5>, scalar_prefetch = 0 : i64, scratch_operands = 0 : i64, tpu.core_type = #tpu.core_type<tc>, window_params = [{transform_indices = @transform_0, window_bounds = array<i64: 2000, 128>}, {transform_indices = @transform_1, window_bounds = array<i64: 2, 2000, 64>}, {transform_indices = @transform_2, window_bounds = array<i64: 2000, 8>}, {pipeline_mode = #tpu.pipeline_mode<synchronous>, transform_indices = @transform_3, window_bounds = array<i64: 2, 128, 128>}, {pipeline_mode = #tpu.pipeline_mode<synchronous>, transform_indices = @transform_4, window_bounds = array<i64: 2, 128, 128>}, {pipeline_mode = #tpu.pipeline_mode<synchronous>, transform_indices = @transform_5, window_bounds = array<i64: 2, 128>}, {pipeline_mode = #tpu.pipeline_mode<synchronous>, transform_indices = @transform_6, window_bounds = array<i64: 1, 1>}, {transform_indices = @transform_7, window_bounds = array<i64: 2000, 128>}]} {
    %get3A = arith.constant 0 : index
    %get3A_0 = arith.constant 0 : index
    %get3A_1 = vector.load %arg7[%get3A, %get3A_0] : memref<1x1xf32, #tpu.memory_space<vmem>>, vector<1x1xf32>
    %get3A_2 = vector.extract %get3A_1[0, 0] : f32 from vector<1x1xf32>
    %gt3A = arith.constant 0.000000e+00 : f32
    %gt3A_3 = arith.cmpf ogt, %get3A_2, %gt3A : f32
    %get3A_4 = arith.constant 0 : index
    %get3A_5 = arith.constant 0 : index
    %get3A_6 = arith.constant 0 : index
    %get3A_7 = vector.load %arg4[%get3A_4, %get3A_5, %get3A_6] : memref<2x128x128xf32, #tpu.memory_space<vmem>>, vector<1x128x128xf32>
    %get3A_8 = vector.shape_cast %get3A_7 : vector<1x128x128xf32> to vector<128x128xf32>
    %get3A_9 = arith.constant 1 : index
    %get3A_10 = arith.constant 0 : index
    %get3A_11 = arith.constant 0 : index
    %get3A_12 = vector.load %arg4[%get3A_9, %get3A_10, %get3A_11] : memref<2x128x128xf32, #tpu.memory_space<vmem>>, vector<1x128x128xf32>
    %get3A_13 = vector.shape_cast %get3A_12 : vector<1x128x128xf32> to vector<128x128xf32>
    %select_n3A = arith.select %gt3A_3, %get3A_8, %get3A_13 : vector<128x128xf32>
    %get3A_14 = arith.constant 0 : index
    %get3A_15 = arith.constant 0 : index
    %get3A_16 = arith.constant 0 : index
    %get3A_17 = vector.load %arg5[%get3A_14, %get3A_15, %get3A_16] : memref<2x128x128xf32, #tpu.memory_space<vmem>>, vector<1x128x128xf32>
    %get3A_18 = vector.shape_cast %get3A_17 : vector<1x128x128xf32> to vector<128x128xf32>
    %get3A_19 = arith.constant 1 : index
    %get3A_20 = arith.constant 0 : index
    %get3A_21 = arith.constant 0 : index
    %get3A_22 = vector.load %arg5[%get3A_19, %get3A_20, %get3A_21] : memref<2x128x128xf32, #tpu.memory_space<vmem>>, vector<1x128x128xf32>
    %get3A_23 = vector.shape_cast %get3A_22 : vector<1x128x128xf32> to vector<128x128xf32>
    %select_n3A_24 = arith.select %gt3A_3, %get3A_18, %get3A_23 : vector<128x128xf32>
    %get3A_25 = arith.constant 0 : index
    %get3A_26 = arith.constant 0 : index
    %get3A_27 = vector.load %arg6[%get3A_25, %get3A_26] : memref<2x128xf32, #tpu.memory_space<vmem>>, vector<1x128xf32>
    %get3A_28 = arith.constant 1 : index
    %get3A_29 = arith.constant 0 : index
    %get3A_30 = vector.load %arg6[%get3A_28, %get3A_29] : memref<2x128xf32, #tpu.memory_space<vmem>>, vector<1x128xf32>
    %select_n3A_31 = arith.select %gt3A_3, %get3A_27, %get3A_30 : vector<1x128xf32>
    %get3A_32 = arith.constant 0 : index
    %get3A_33 = arith.constant 0 : index
    %get3A_34 = arith.constant 0 : index
    %get3A_35 = vector.load %arg2[%get3A_32, %get3A_33, %get3A_34] : memref<2x2000x64xf32, #tpu.memory_space<vmem>>, vector<1x2000x64xf32>
    %get3A_36 = vector.shape_cast %get3A_35 : vector<1x2000x64xf32> to vector<2000x64xf32>
    %get3A_37 = arith.constant 1 : index
    %get3A_38 = arith.constant 0 : index
    %get3A_39 = arith.constant 0 : index
    %get3A_40 = vector.load %arg2[%get3A_37, %get3A_38, %get3A_39] : memref<2x2000x64xf32, #tpu.memory_space<vmem>>, vector<1x2000x64xf32>
    %get3A_41 = vector.shape_cast %get3A_40 : vector<1x2000x64xf32> to vector<2000x64xf32>
    %concatenate3A = tpu.concatenate %get3A_36, %get3A_41 in 1 : vector<2000x64xf32>, vector<2000x64xf32> -> vector<2000x128xf32>
    %get3A_42 = arith.constant 0 : index
    %get3A_43 = arith.constant 0 : index
    %get3A_44 = vector.load %arg3[%get3A_42, %get3A_43] : memref<2000x8xf32, #tpu.memory_space<vmem>>, vector<2000x1xf32>
    %max3A = arith.constant 1.000000e+00 : f32
    %max3A_45 = vector.broadcast %max3A : f32 to vector<2000x1xf32>
    %max3A_46 = arith.maximumf %get3A_44, %max3A_45 : vector<2000x1xf32>
    %div3A = vector.broadcast %max3A_46 : vector<2000x1xf32> to vector<2000x128xf32>
    %div3A_47 = arith.divf %concatenate3A, %div3A : vector<2000x128xf32>
    %get3A_48 = arith.constant 0 : index
    %get3A_49 = arith.constant 0 : index
    %get3A_50 = vector.load %arg1[%get3A_48, %get3A_49] : memref<2000x128xf32, #tpu.memory_space<vmem>>, vector<2000x128xf32>
    %dot_general3A = arith.constant dense<0.000000e+00> : vector<2000x128xf32>
    %dot_general3A_51 = tpu.matmul %get3A_50, %select_n3A, %dot_general3A {dimension_numbers = #tpu.dot_dimension_numbers<[1], [0], [0], [1], [0, 0, 1, 1], [], []>, transpose_lhs_hint = false} : vector<2000x128xf32>, vector<128x128xf32>, vector<2000x128xf32> -> vector<2000x128xf32>
    %dot_general3A_52 = arith.constant dense<0.000000e+00> : vector<2000x128xf32>
    %dot_general3A_53 = tpu.matmul %div3A_47, %select_n3A_24, %dot_general3A_52 {dimension_numbers = #tpu.dot_dimension_numbers<[1], [0], [0], [1], [0, 0, 1, 1], [], []>, transpose_lhs_hint = false} : vector<2000x128xf32>, vector<128x128xf32>, vector<2000x128xf32> -> vector<2000x128xf32>
    %add3A = arith.addf %dot_general3A_51, %dot_general3A_53 : vector<2000x128xf32>
    %add3A_54 = vector.broadcast %select_n3A_31 : vector<1x128xf32> to vector<2000x128xf32>
    %add3A_55 = arith.addf %add3A, %add3A_54 : vector<2000x128xf32>
    %max3A_56 = arith.constant 0.000000e+00 : f32
    %max3A_57 = vector.broadcast %max3A_56 : f32 to vector<2000x128xf32>
    %max3A_58 = arith.maximumf %add3A_55, %max3A_57 : vector<2000x128xf32>
    %select_n3A_59 = arith.select %gt3A_3, %max3A_58, %add3A_55 : vector<2000x128xf32>
    %swap3A = arith.constant 0 : index
    %swap3A_60 = arith.constant 0 : index
    %swap3A_61 = vector.load %arg8[%swap3A, %swap3A_60] : memref<2000x128xf32, #tpu.memory_space<vmem>>, vector<2000x128xf32>
    tpu.vector_store %arg8[%swap3A, %swap3A_60], %select_n3A_59 {strides = array<i32>} : memref<2000x128xf32, #tpu.memory_space<vmem>>, vector<2000x128xf32>,
    return
  }
  func.func @transform_0(%arg0: i32) -> (i32, i32) {
    %c0_i32 = arith.constant 0 : i32
    %c0_i32_0 = arith.constant 0 : i32
    return %arg0, %c0_i32 : i32, i32
  }
  func.func @transform_1(%arg0: i32) -> (i32, i32, i32) {
    %c0_i32 = arith.constant 0 : i32
    %c0_i32_0 = arith.constant 0 : i32
    %c0_i32_1 = arith.constant 0 : i32
    return %c0_i32, %arg0, %c0_i32_0 : i32, i32, i32
  }
  func.func @transform_2(%arg0: i32) -> (i32, i32) {
    %c0_i32 = arith.constant 0 : i32
    %c0_i32_0 = arith.constant 0 : i32
    return %arg0, %c0_i32 : i32, i32
  }
  func.func @transform_3(%arg0: i32) -> (i32, i32, i32) {
    %c0_i32 = arith.constant 0 : i32
    %c0_i32_0 = arith.constant 0 : i32
    %c0_i32_1 = arith.constant 0 : i32
    %c0_i32_2 = arith.constant 0 : i32
    return %c0_i32, %c0_i32_0, %c0_i32_1 : i32, i32, i32
  }
  func.func @transform_4(%arg0: i32) -> (i32, i32, i32) {
    %c0_i32 = arith.constant 0 : i32
    %c0_i32_0 = arith.constant 0 : i32
    %c0_i32_1 = arith.constant 0 : i32
    %c0_i32_2 = arith.constant 0 : i32
    return %c0_i32, %c0_i32_0, %c0_i32_1 : i32, i32, i32
  }
  func.func @transform_5(%arg0: i32) -> (i32, i32) {
    %c0_i32 = arith.constant 0 : i32
    %c0_i32_0 = arith.constant 0 : i32
    %c0_i32_1 = arith.constant 0 : i32
    return %c0_i32, %c0_i32_0 : i32, i32
  }
  func.func @transform_6(%arg0: i32) -> (i32, i32) {
    %c0_i32 = arith.constant 0 : i32
    %c0_i32_0 = arith.constant 0 : i32
    %c0_i32_1 = arith.constant 0 : i32
    return %c0_i32, %c0_i32_0 : i32, i32
  }
  func.func @transform_7(%arg0: i32) -> (i32, i32) {
    %c0_i32 = arith.constant 0 : i32
    %c0_i32_0 = arith.constant 0 : i32
    return %arg0, %c0_i32 : i32, i32
  }
}

module attributes {stable_mosaic.version = 14 : i64} {
  func.func @_tc_pred_body(%arg0: i32, %arg1: memref<8192x128xf32, #tpu.memory_space<vmem>>, %arg2: memref<128x128xf32, #tpu.memory_space<vmem>>, %arg3: memref<1x128xf32, #tpu.memory_space<vmem>>, %arg4: memref<128x1xf32, #tpu.memory_space<vmem>>, %arg5: memref<1x1xf32, #tpu.memory_space<vmem>>, %arg6: memref<8192x1xf32, #tpu.memory_space<vmem>>) attributes {dimension_semantics = [#tpu.dimension_semantics<arbitrary>], iteration_bounds = array<i64: 4>, scalar_prefetch = 0 : i64, scratch_operands = 0 : i64, tpu.core_type = #tpu.core_type<tc>, window_params = [{transform_indices = @transform_0, window_bounds = array<i64: 8192, 128>}, {pipeline_mode = #tpu.pipeline_mode<synchronous>, transform_indices = @transform_1, window_bounds = array<i64: 128, 128>}, {pipeline_mode = #tpu.pipeline_mode<synchronous>, transform_indices = @transform_2, window_bounds = array<i64: 1, 128>}, {pipeline_mode = #tpu.pipeline_mode<synchronous>, transform_indices = @transform_3, window_bounds = array<i64: 128, 1>}, {pipeline_mode = #tpu.pipeline_mode<synchronous>, transform_indices = @transform_4, window_bounds = array<i64: 1, 1>}, {transform_indices = @transform_5, window_bounds = array<i64: 8192, 1>}]} {
    %get3A = arith.constant 0 : index
    %get3A_0 = arith.constant 0 : index
    %get3A_1 = vector.load %arg1[%get3A, %get3A_0] : memref<8192x128xf32, #tpu.memory_space<vmem>>, vector<8192x128xf32>
    %get3A_2 = arith.constant 0 : index
    %get3A_3 = arith.constant 0 : index
    %get3A_4 = vector.load %arg2[%get3A_2, %get3A_3] : memref<128x128xf32, #tpu.memory_space<vmem>>, vector<128x128xf32>
    %dot_general3A = arith.constant dense<0.000000e+00> : vector<8192x128xf32>
    %dot_general3A_5 = tpu.matmul %get3A_1, %get3A_4, %dot_general3A {dimension_numbers = #tpu.dot_dimension_numbers<[1], [0], [0], [1], [0, 0, 1, 1], [], []>, transpose_lhs_hint = false} : vector<8192x128xf32>, vector<128x128xf32>, vector<8192x128xf32> -> vector<8192x128xf32>
    %get3A_6 = arith.constant 0 : index
    %get3A_7 = arith.constant 0 : index
    %get3A_8 = vector.load %arg3[%get3A_6, %get3A_7] : memref<1x128xf32, #tpu.memory_space<vmem>>, vector<1x128xf32>
    %add3A = vector.broadcast %get3A_8 : vector<1x128xf32> to vector<8192x128xf32>
    %add3A_9 = arith.addf %dot_general3A_5, %add3A : vector<8192x128xf32>
    %max3A = arith.constant 0.000000e+00 : f32
    %max3A_10 = vector.broadcast %max3A : f32 to vector<8192x128xf32>
    %max3A_11 = arith.maximumf %add3A_9, %max3A_10 : vector<8192x128xf32>
    %get3A_12 = arith.constant 0 : index
    %get3A_13 = arith.constant 0 : index
    %get3A_14 = vector.load %arg4[%get3A_12, %get3A_13] : memref<128x1xf32, #tpu.memory_space<vmem>>, vector<128x1xf32>
    %dot_general3A_15 = arith.constant dense<0.000000e+00> : vector<8192x1xf32>
    %dot_general3A_16 = tpu.matmul %max3A_11, %get3A_14, %dot_general3A_15 {dimension_numbers = #tpu.dot_dimension_numbers<[1], [0], [0], [1], [0, 0, 1, 1], [], []>, transpose_lhs_hint = false} : vector<8192x128xf32>, vector<128x1xf32>, vector<8192x1xf32> -> vector<8192x1xf32>
    %get3A_17 = arith.constant 0 : index
    %get3A_18 = arith.constant 0 : index
    %get3A_19 = vector.load %arg5[%get3A_17, %get3A_18] : memref<1x1xf32, #tpu.memory_space<vmem>>, vector<1x1xf32>
    %add3A_20 = vector.broadcast %get3A_19 : vector<1x1xf32> to vector<8192x1xf32>
    %add3A_21 = arith.addf %dot_general3A_16, %add3A_20 : vector<8192x1xf32>
    %swap3A = arith.constant 0 : index
    %swap3A_22 = arith.constant 0 : index
    %swap3A_23 = vector.load %arg6[%swap3A, %swap3A_22] : memref<8192x1xf32, #tpu.memory_space<vmem>>, vector<8192x1xf32>
    tpu.vector_store %arg6[%swap3A, %swap3A_22], %add3A_21 {strides = array<i32>} : memref<8192x1xf32, #tpu.memory_space<vmem>>, vector<8192x1xf32>,
    return
  }
  func.func @transform_0(%arg0: i32) -> (i32, i32) {
    %c0_i32 = arith.constant 0 : i32
    %c0_i32_0 = arith.constant 0 : i32
    return %arg0, %c0_i32 : i32, i32
  }
  func.func @transform_1(%arg0: i32) -> (i32, i32) {
    %c0_i32 = arith.constant 0 : i32
    %c0_i32_0 = arith.constant 0 : i32
    %c0_i32_1 = arith.constant 0 : i32
    return %c0_i32, %c0_i32_0 : i32, i32
  }
  func.func @transform_2(%arg0: i32) -> (i32, i32) {
    %c0_i32 = arith.constant 0 : i32
    %c0_i32_0 = arith.constant 0 : i32
    %c0_i32_1 = arith.constant 0 : i32
    return %c0_i32, %c0_i32_0 : i32, i32
  }
  func.func @transform_3(%arg0: i32) -> (i32, i32) {
    %c0_i32 = arith.constant 0 : i32
    %c0_i32_0 = arith.constant 0 : i32
    %c0_i32_1 = arith.constant 0 : i32
    return %c0_i32, %c0_i32_0 : i32, i32
  }
  func.func @transform_4(%arg0: i32) -> (i32, i32) {
    %c0_i32 = arith.constant 0 : i32
    %c0_i32_0 = arith.constant 0 : i32
    %c0_i32_1 = arith.constant 0 : i32
    return %c0_i32, %c0_i32_0 : i32, i32
  }
  func.func @transform_5(%arg0: i32) -> (i32, i32) {
    %c0_i32 = arith.constant 0 : i32
    %c0_i32_0 = arith.constant 0 : i32
    return %arg0, %c0_i32 : i32, i32
  }
}

</mosaic_0001>

<sc_bundles>
// kernel: body.10.cloned.1.call-start
scs
__scs_entry_jumppad:
0x0: {  	(pc) =	sbr.rel $0x88, $3  }
0x1: {  	(tag) =	ssettag $0x0;
	lr =	simm.s32 $0x1  }
0x2: {  	[smem:$0x3F93] =	sst lr;
	_ =	strace $0xD0000000  }
0x3: {  	_ = 	snop  }
0x4: {  	_ = 	snop  }
0x5: {  	_ = 	snop  }
0x6: {  	_ = 	snop  }
0x7: {  	_ = 	snop  }
__scs_overlays_trampoline_lowered:
0x8: {  	[smem:$0x3FA2] =	sst s0  }
0x9: {  	[smem:$0x3FA3] =	sst s1  }
0xa: {  	[smem:$0x3FA4] =	sst s2  }
0xb: {  	[smem:$0x3FA5] =	sst s3  }
0xc: {  	[smem:$0x3FA6] =	sst s4  }
0xd: {  	[smem:$0x3FA7] =	sst s5  }
0xe: {  	[smem:$0x3FA8] =	sst s6  }
0xf: {  	[smem:$0x3FA9] =	sst s7  }
0x10: {  	[smem:$0x3FAA] =	sst s8  }
0x11: {  	[smem:$0x3FAB] =	sst s9;
	s0 =	simm.s32 @!p0 $0x0  }
0x12: {  	s1 =	sld [smem:$0x3F91];
	s0 =	simm.s32 @p0 $0x1  }
0x13: {  	[smem:$0x3FAC] =	sst s0;
	s0 =	simm.s32 @!p1 $0x0  }
0x14: {  	s2 =	sld [smem:$0x3F90];
	s0 =	simm.s32 @p1 $0x1  }
0x15: {  	[smem:$0x3FAD] =	sst s0;
	s0 =	simm.s32 @!p2 $0x0  }
0x16: {  	s3 =	sld [smem:$0x3FDB];
	s0 =	simm.s32 @p2 $0x1  }
0x17: {  	s4 =	simm.s32 $0x1BF5;
	[smem:$0x3FAF] =	sst s0  }
0x18: {  	s0 =	sld [smem:$0x3F92];
	_ =	swait.ge [sflag:s4], $0x0  }
0x19: {  	s7 =	sld [smem:$0x3F93]  }
0x1a: {  	s8 =	sadd.s32 $0xFFFFE003, lr  }
0x1b: {  	s9 =	sadd.s32 $0xFFFFFEF7, lr;
	s5 =	simm.s32 $0xFFFFFFFF;
	p2 =	slt.u32 s8, $0xFFFFF086  }
0x1c: {  	p1 =	slt.u32 s9, $0xF7A;
	s5 =	simm.s32 @!p2 $0x0  }
0x1d: {  	s5 =	simm.s32 @p1 $0x1;
	p0 =	seq.s32 s7, s2  }
0x1e: {  	s7 =	smul.u32 @!p0 $0xF7A, s2;
	p2 =	seq.s32 @!p0 s5, $0x0  }
0x1f: {  	s9 =	smul.u32 $0xF7A, s1;
	s8 =	simm.s32 @!p0 $0x1BF5;
	p2 =	por !p2, p0  }
0x20: {  	[sflag:s8] =	ssyncset.s32 @!p0 $0xFFFFF086;
	s6 =	sadd.s32 @!p0 s3, s7;
	s7 =	simm.s32 @!p0 $0x108  }
0x21: {  	s3 =	sadd.s32 s3, s9;
	s6 =	sadd.s32 @!p0 $0x88, s6;
	s7 =	simm.s32 @p2 $0x1082  }
0x22: {  	[simem:s7], [sflag:s8] =	dma.local @!p0 [hbm:s6], $0xF7A  }
0x23: {  	s9 =	sor.u32 $0xD0000000, s2;
	s6 =	simm.s32 $0x108;
	_ =	swait.ge @!p0 [sflag:s8], $0x0  }
0x24: {  	s3 =	sadd.s32 $0x88, s3;
	s6 =	simm.s32 @!p1 $0x1082;
	[sflag:s4] =	ssyncset.s32 $0xFFFFF086  }
0x25: {  	[simem:s6], [sflag:s4] =	dma.local [hbm:s3], $0xF7A  }
0x26: {  	[smem:$0x3F93] =	sst s1;
	(tag) =	ssettag s2;
	_ =	strace s9  }
0x27: {  	s1 =	sld [smem:$0x3FA3]  }
0x28: {  	s2 =	sld [smem:$0x3FA4]  }
0x29: {  	s4 =	sld [smem:$0x3FA6]  }
0x2a: {  	p0 =	seq.s32 s5, $0x0;
	s5 =	sld [smem:$0x3FA7]  }
0x2b: {  	s6 =	sld [smem:$0x3FA8]  }
0x2c: {  	s7 =	sld [smem:$0x3FA9]  }
0x2d: {  	s3 =	simm.s32 $0x108;
	s8 =	sld [smem:$0x3FAA]  }
0x2e: {  	s3 =	simm.s32 @!p0 $0x1082;
	s9 =	sld [smem:$0x3FAB]  }
0x2f: {  	lr =	sadd.s32 s0, s3;
	s0 =	sld [smem:$0x3FA2]  }
0x30: {  	s3 =	sld [smem:$0x3FA5]  }
0x31: {  	[smem:$0x3FAE] =	sst s10  }
0x32: {  	s10 =	sld [smem:$0x3FAC];
	_ =	sdelay $0x3  }
0x33: {  	p0 =	seq.s32 s10, $0x1;
	s10 =	sld [smem:$0x3FAE];
	_ =	sdelay $0x3  }
0x34: {  	[smem:$0x3FAE] =	sst s10  }
0x35: {  	s10 =	sld [smem:$0x3FAD];
	_ =	sdelay $0x3  }
0x36: {  	p1 =	seq.s32 s10, $0x1;
	s10 =	sld [smem:$0x3FAE];
	_ =	sdelay $0x3  }
0x37: {  	[smem:$0x3FAE] =	sst s10  }
0x38: {  	s10 =	sld [smem:$0x3FAF]  }
0x39: {  	_ = 	snop;
	(pc) =	sbr.ind lr, $3  }
0x3a: {  	_ = 	snop  }
0x3b: {  	_ = 	snop  }
0x3c: {  	p2 =	seq.s32 s10, $0x1;
	s10 =	sld [smem:$0x3FAE]  }
0x3d: {  	_ =	shalt  }
0x3e: {  	_ =	shalt  }
0x3f: {  	_ =	shalt  }
0x40: {  	_ =	shalt  }
0x41: {  	_ =	shalt  }
0x42: {  	_ =	shalt  }
0x43: {  	_ =	shalt  }
0x44: {  	_ =	shalt  }
0x45: {  	_ =	shalt  }
0x46: {  	_ =	shalt  }
0x47: {  	_ =	shalt  }
0x48: {  	_ =	shalt  }
0x49: {  	_ =	shalt  }
0x4a: {  	_ =	shalt  }
0x4b: {  	_ =	shalt  }
0x4c: {  	_ =	shalt  }
0x4d: {  	_ =	shalt  }
0x4e: {  	_ =	shalt  }
0x4f: {  	_ =	shalt  }
0x50: {  	_ =	shalt  }
0x51: {  	_ =	shalt  }
0x52: {  	_ =	shalt  }
0x53: {  	_ =	shalt  }
0x54: {  	_ =	shalt  }
0x55: {  	_ =	shalt  }
0x56: {  	_ =	shalt  }
0x57: {  	_ =	shalt  }
0x58: {  	_ =	shalt  }
0x59: {  	_ =	shalt  }
0x5a: {  	_ =	shalt  }
0x5b: {  	_ =	shalt  }
0x5c: {  	_ =	shalt  }
0x5d: {  	_ =	shalt  }
0x5e: {  	_ =	shalt  }
0x5f: {  	_ =	shalt  }
0x60: {  	_ =	shalt  }
0x61: {  	_ =	shalt  }
0x62: {  	_ =	shalt  }
0x63: {  	_ =	shalt  }
0x64: {  	_ =	shalt  }
0x65: {  	_ =	shalt  }
0x66: {  	_ =	shalt  }
0x67: {  	_ =	shalt  }
0x68: {  	_ =	shalt  }
0x69: {  	_ =	shalt  }
0x6a: {  	_ =	shalt  }
0x6b: {  	_ =	shalt  }
0x6c: {  	_ =	shalt  }
0x6d: {  	_ =	shalt  }
0x6e: {  	_ =	shalt  }
0x6f: {  	_ =	shalt  }
0x70: {  	_ =	shalt  }
0x71: {  	_ =	shalt  }
0x72: {  	_ =	shalt  }
0x73: {  	_ =	shalt  }
0x74: {  	_ =	shalt  }
0x75: {  	_ =	shalt  }
0x76: {  	_ =	shalt  }
0x77: {  	_ =	shalt  }
0x78: {  	_ =	shalt  }
0x79: {  	_ =	shalt  }
0x7a: {  	_ =	shalt  }
0x7b: {  	_ =	shalt  }
0x7c: {  	_ =	shalt  }
0x7d: {  	_ =	shalt  }
0x7e: {  	_ =	shalt  }
0x7f: {  	_ =	shalt  }
0x80: {  	_ =	shalt  }
0x81: {  	_ =	shalt  }
0x82: {  	_ =	shalt  }
0x83: {  	_ =	shalt  }
0x84: {  	_ =	shalt  }
0x85: {  	_ =	shalt  }
0x86: {  	_ =	shalt  }
0x87: {  	_ =	shalt  }
.Lfunc_end0:
.L_simem_size_0:
called_computation_lowered:
.L_overlay_start_0:
0x88: {  	s2 =	sld [smem:$0x3FD9]  }
0x89: {  	s3 =	sld [smem:$0x3FFE];
	_ =	sdelay $0x1  }
0x8a: {  	s1 =	srdreg.scid  }
0x8b: {  	s0 =	sand.u32 $0x1, s1  }
0x8c: {  	s14 =	sshll.u32 s0, $0xA;
	s2 =	sadd.s32 s3, s2  }
0x8d: {  	s2 =	sadd.s32 s2, s14  }
0x8e: {  	[smem:$0x3FBA] =	sst s2  }
0x8f: {  	_ = 	snop  }
0x90: {  	s2 =	sld [smem:$0x3FD0];
	_ =	sdelay $0x2  }
0x91: {  	s15 =	simm.s32 $0xA;
	s4 =	simm.s32 $0x10  }
0x92: {  	[smem:s4], [sflag:s15] =	dma.local [hbm:s2], $0x1  }
0x93: {  	_ =	swait.eq [sflag:s15], $0x1  }
0x94: {  	[sflag:s15] =	ssyncset.done $0x0  }
0x95: {  	[sflag:s15] =	ssyncadd.s32 $0xFFFFFFFF  }
0x96: {  	s16 =	sld [smem:$0x11];
	(tm) =	ssettm $0x1  }
0x97: {  	s17 =	sld [smem:$0x3FFB];
	_ =	sdelay $0x3  }
0x98: {  	_ =	strace s17  }
0x99: {  	s3 =	sld [smem:$0x3FFC];
	_ =	sdelay $0x3  }
0x9a: {  	_ =	strace s3  }
0x9b: {  	s3 =	sld [smem:$0x3FFD];
	_ =	sdelay $0x3  }
0x9c: {  	_ =	strace s3  }
0x9d: {  	_ =	strace $0x8FFFFFFF  }
0x9e: {  	s18 =	sld [smem:$0x3FDB];
	_ =	sdelay $0x1  }
0x9f: {  	s19 =	simm.s32 $_scs_section_size  }
0xa0: {  	s5 =	simm.s32 $_size__tile_overlayer_lowered;
	s6 =	simm.s32 $_tile_overlayer_lowered  }
0xa1: {  	s22 =	simm.s32 $0x1BFF;
	s21 =	sshll.u32 s6, $0x1;
	s3 =	sadd.s32 s19, s18  }
0xa2: {  	s7 =	simm.s32 $0x0;
	s20 =	sshll.u32 s5, $0x1;
	s5 =	sadd.s32 s21, s3  }
0xa3: {  	[timem:s7], [sflag:s22] =	dma.local [hbm:s5], s20  }
0xa4: {  	_ =	swait.ge [sflag:s22], s20  }
0xa5: {  	s4 =	ssub.s32 $0x0, s20;
	[sflag:s22] =	ssyncset.done $0x0  }
0xa6: {  	[sflag:s22] =	ssyncadd.s32 s4;
	_ =	sdelay $0x1  }
0xa7: {  	s23 =	simm.s32 $0x1B8B  }
0xa8: {  	_ =	swait.ge [sflag:s23], $0x1  }
0xa9: {  	[sflag:s23] =	ssyncset.done $0x0  }
0xaa: {  	s25 =	simm.s32 $0x1B8E;
	s24 =	sld [smem:$0x3FFE];
	[sflag:s23] =	ssyncadd.s32 $0xFFFFFFFF  }
0xab: {  	s26 =	simm.s32 $execute0_lowered;
	[smem:$0x3FD2] =	sst s25  }
0xac: {  	s5 =	sshll.u32 s26, $0x1;
	_ =	strace $0x80000049;
	[dreg:$0x1] =	wrdreg $0xFFFFFFFF  }
0xad: {  	s28 =	simm.s32 $_size_execute0_lowered;
	s3 =	sadd.s32 s3, s5;
	[dreg:$0x0] =	wrdreg $0x0  }
0xae: {  	s5 =	sshll.u32 s28, $0x1;
	[dreg:$0x2] =	wrdreg s3  }
0xaf: {  	[dreg:$0x3] =	wrdreg s5  }
0xb0: {  	[dreg:$0x4] =	wrdreg $0xC0  }
0xb1: {  	_ =	task [dreg:s7], $0x5FFFF  }
0xb2: {  	[dreg:$0x1] =	wrdreg $0xFFFFFFFF  }
0xb3: {  	[dreg:$0x0] =	wrdreg $0x60  }
0xb4: {  	[dreg:$0x2] =	wrdreg s24  }
0xb5: {  	[dreg:$0x3] =	wrdreg s16  }
0xb6: {  	[dreg:$0x4] =	wrdreg $0x196000  }
0xb7: {  	[dreg:$0x5] =	wrdreg $0xF6000  }
0xb8: {  	[dreg:$0x6] =	wrdreg $0x9  }
0xb9: {  	_ =	task.clear_ibuf [dreg:s7], $0x7FFFF;
	_ =	strace $0x90000049  }
0xba: {  	s29 =	simm.s32 $0x9;
	_ =	strace $0x8000004B  }
0xbb: {  	_ =	swait.ge [sflag:s29], $0x1  }
0xbc: {  	[sflag:s29] =	ssyncadd.s32 $0xFFFFFFFF  }
0xbd: {  	_ =	strace $0x9000004B  }
0xbe: {  	_ =	sfence  }
0xbf: {  	s30 =	sld [smem:$0x0];
	_ =	sdelay $0x2  }
0xc0: {  	s31 =	sshll.u32 s1, $0xD;
	s1 =	sshrl.u32 s1, $0x2  }
0xc1: {  	s3 =	sand.u32 $0x4000, s31;
	s1 =	sadd.s32 s1, s30  }
0xc2: {  	s0 =	sor.u32 s3, s0;
	s1 =	sshll.u32 s1, $0x11  }
0xc3: {  	s0 =	sor.u32 s1, s0  }
0xc4: {  	s0 =	sadd.s32 $0x8F2B, s0  }
0xc5: {  	[sflag:s0] =	ssyncadd.remote.s32 $0x1  }
0xc6: {  	_ =	sfence.sel $0xFFFF  }
0xc7: {  	[dreg:$0x0] =	wrdreg $0xFFFFFFFF;
	(pc) =	sbr.abs _section_cstart, $3  }
0xc8: {  	[dreg:$0x1] =	wrdreg $0xFFFFFFFF  }
0xc9: {  	_ =	task.clear_ibuf [dreg:s7], $0x2FFFF;
	_ =	strace $0x9FFFFFFF  }
0xca: {  	(tm) =	ssettm $0x7FFFFFFF  }
0xcb: {  	_ =	shalt  }
tec
execute0_lowered:
.L_overlay_start_1:
0x0: {  	(tag) =	ssettag $0x1  }
0x1: {  	s2 =	rddreg [dreg:$0x0];
	s4 =	srdreg.scid  }
0x2: {  	s0 =	stileid.u32;
	s3 =	rddreg [dreg:$0x2]  }
0x3: {  	s5 =	simm.s32 $0x0;
	s18 =	simm.s32 $0xDE00;
	s7 =	smul.u32 $0x4F00, s0  }
0x4: {  	s19 =	simm.s32 $0x3;
	s20 =	simm.s32 $0x9E00;
	s8 =	smul.u32 $0xA000, s0  }
0x5: {  	s21 =	simm.s32 $0x4F00;
	s28 =	simm.s32 $0x9D00;
	s23 =	smul.u32 $0x1400, s0  }
0x6: {  	s29 =	simm.s32 $0x9D80;
	s25 =	sand.u32 $0x1, s4;
	s11 =	smul.u32 $0x28000, s0  }
0x7: {  	s30 =	simm.s32 $0x0;
	[smem:$0x7FF] =	sst s5;
	s6 =	smul.u32 $0x4F000, s25  }
0x8: {  	s4 =	rddreg [dreg:$0x3];
	s10 =	smul.u32 $0xA0000, s25;
	_ =	strace $0x8000004A  }
0x9: {  	s24 =	ssub.s32 $0x2, s25;
	p0 =	sne.s32 s25, $0x0;
	s25 =	simm.s32 $0xF200  }
0xa: {  	s26 =	sshrl.u32 s23, $0x3;
	s12 =	sshrl.u32 s24, $0x1;
	s11 =	sshrl.u32 s11, $0x2  }
0xb: {  	s9 =	sadd.s32 s7, s6;
	s6 =	sadd.s32 $0x42600, s2;
	s22 =	sadd.s32 s8, s10  }
0xc: {  	s7 =	sshrl.u32 s7, $0x3;
	s17 =	ssub.s32 s24, s12;
	s31 =	sadd.s32 s11, s4  }
0xd: {  	s8 =	sadd.s32 s8, s4;
	s24 =	simm.s32 $0x1;
	s9 =	sshrl.u32 s9, $0x3  }
0xe: {  	s14 =	sadd.s32 s7, s2;
	s7 =	sadd.s32 s23, s3;
	s10 =	sadd.s32 $0x4000, s31  }
0xf: {  	s11 =	sadd.s32 $0x6000, s31;
	s12 =	sadd.s32 $0x8000, s31;
	s17 =	smax.u32 s17, $0x1  }
0x10: {  	s23 =	simm.s32 $0xBE00;
	s13 =	sadd.s32 s9, s2;
	s9 =	sshrl.u32 s22, $0x3  }
0x11: {  	s14 =	sadd.s32 $0x38800, s14;
	s22 =	simm.s32 $0x80;
	s15 =	sadd.s32 s9, s2  }
0x12: {  	s2 =	sadd.s32 s26, s2;
	s9 =	sadd.s32 $0x2000, s31;
	s13 =	sadd.s32 $0x24C00, s13  }
0x13: {  	v0 =	vimm.f32 $0.0e+00;
	s26 =	simm.s32 $0x2;
	s15 =	sadd.s32 $0x69800, s15;
	s16 =	sadd.s32 $0x91800, s2  }
.LBB2_1:
0x14: {  	s1 =	rddreg [dreg:$0x1]  }
0x15: {  	[tilespmem:s18], [sflag:$0x3] =	stream.linear.gather [hbm4b:s1+s5], $0x1800, $0x38;
	[tilespmem:$0x1AA00] =	vst v63  }
0x16: {  	_ =	swait.ge [sflag:s19], $0x1800  }
0x17: {  	[sflag:s19] =	ssyncset.done $0x0  }
0x18: {  	[sflag:s19] =	ssyncadd.s32 $0xFFFFE800  }
0x19: {  	[spmem:s7] =	stream.linear.scatter [tilespmem:s18], [sflag:$0x3], $0x1400, $0x38;
	[tilespmem:$0x1AA00] =	vst v63  }
0x1a: {  	_ =	swait.ge [sflag:s19], $0x1400  }
0x1b: {  	[sflag:s19] =	ssyncset.done $0x0  }
0x1c: {  	s2 =	simm.s32 $0x100;
	s31 =	simm.s32 $0x0;
	[sflag:s19] =	ssyncadd.s32 $0xFFFFEC00  }
.LBB2_2:
0x1d: {  	p1 =	sne.s32 s2, $0x7F00;
	[tilespmem:s31+$0x9E30] =	vst v0;
	s1 =	smov.u32 s2;
	s2 =	sadd.s32 $0x100, s2  }
.Ltmp0:
0x1e: {  	[tilespmem:s31+$0x9E20] =	vst v0;
	(pc) =	sbr.rel @p1 .LBB2_2-.Ltmp0, $3  }
0x1f: {  	[tilespmem:s31+$0x9E00] =	vst v0  }
0x20: {  	[tilespmem:s31+$0x9E10] =	vst v0;
	_ =	sdelay $0x1  }
0x21: {  	s31 =	sshra.s32 s1, $0x2  }
0x22: {  	[tilespmem:s31+$0x9E30] =	vst v0  }
0x23: {  	[tilespmem:s31+$0x9E20] =	vst v0  }
0x24: {  	[tilespmem:s31+$0x9E00] =	vst v0  }
0x25: {  	[tilespmem:s31+$0x9E10] =	vst v0  }
0x26: {  	[spmem:s8] =	stream.linear.scatter [tilespmem:s20], [sflag:$0x3], $0x2000, $0x38;
	[tilespmem:$0x1AA00] =	vst v63  }
0x27: {  	_ =	swait.ge [sflag:s19], $0x2000  }
0x28: {  	[sflag:s19] =	ssyncset.done $0x0  }
0x29: {  	[sflag:s19] =	ssyncadd.s32 $0xFFFFE000  }
0x2a: {  	[spmem:s9] =	stream.linear.scatter [tilespmem:s20], [sflag:$0x3], $0x2000, $0x38;
	[tilespmem:$0x1AA00] =	vst v63  }
0x2b: {  	_ =	swait.ge [sflag:s19], $0x2000  }
0x2c: {  	[sflag:s19] =	ssyncset.done $0x0  }
0x2d: {  	[sflag:s19] =	ssyncadd.s32 $0xFFFFE000  }
0x2e: {  	[spmem:s10] =	stream.linear.scatter [tilespmem:s20], [sflag:$0x3], $0x2000, $0x38;
	[tilespmem:$0x1AA00] =	vst v63  }
0x2f: {  	_ =	swait.ge [sflag:s19], $0x2000  }
0x30: {  	[sflag:s19] =	ssyncset.done $0x0  }
0x31: {  	[sflag:s19] =	ssyncadd.s32 $0xFFFFE000  }
0x32: {  	[spmem:s11] =	stream.linear.scatter [tilespmem:s20], [sflag:$0x3], $0x2000, $0x38;
	[tilespmem:$0x1AA00] =	vst v63  }
0x33: {  	_ =	swait.ge [sflag:s19], $0x2000  }
0x34: {  	[sflag:s19] =	ssyncset.done $0x0  }
0x35: {  	[sflag:s19] =	ssyncadd.s32 $0xFFFFE000  }
0x36: {  	[spmem:s12] =	stream.linear.scatter [tilespmem:s20], [sflag:$0x3], $0x2000, $0x38;
	[tilespmem:$0x1AA00] =	vst v63  }
0x37: {  	_ =	swait.ge [sflag:s19], $0x2000  }
0x38: {  	[sflag:s19] =	ssyncset.done $0x0  }
0x39: {  	s1 =	simm.s32 $0x0;
	[sflag:s19] =	ssyncadd.s32 $0xFFFFE000  }
0x3a: {  	[tilespmem:s1], [sflag:$0x3] =	stream.linear.gather [hbm4b:s13+s1], $0x4F00, $0x38;
	[tilespmem:$0x1AA00] =	vst v63  }
0x3b: {  	_ =	swait.ge [sflag:s19], $0x4F00  }
0x3c: {  	[sflag:s19] =	ssyncset.done $0x0  }
0x3d: {  	[sflag:s19] =	ssyncadd.s32 $0xFFFFB100  }
0x3e: {  	[tilespmem:s21], [sflag:$0x3] =	stream.linear.gather [hbm4b:s14+s1], $0x4F00, $0x38;
	[tilespmem:$0x1AA00] =	vst v63  }
0x3f: {  	_ =	swait.ge [sflag:s19], $0x4F00  }
0x40: {  	[sflag:s19] =	ssyncset.done $0x0  }
0x41: {  	[sflag:s19] =	ssyncadd.s32 $0xFFFFB100  }
0x42: {  	[bflag:$0x0] =	sbarrier.arrive $0xFFFF  }
0x43: {  	[tilespmem:s20], [sflag:$0x1] =	stream.indirect.gather [hbm4b:s6+s22], $0x40, s1, s22, $0xb8;
	[tilespmem:$0x1AA00] =	vst v63  }
0x44: {  	_ = 	snop  }
0x45: {  	[tilespmem:s23], [sflag:$0x2] =	stream.indirect.gather [hbm4b:s6+s22], $0x40, s22, s22, $0xb8;
	[tilespmem:$0x1AA00] =	vst v63  }
0x46: {  	_ =	swait.ge [sflag:s24], $0x2000  }
0x47: {  	[sflag:s24] =	ssyncset.done $0x0  }
0x48: {  	s2 =	simm.s32 $0x4F00;
	[sflag:s24] =	ssyncadd.s32 $0xFFFFE000  }
0x49: {  	[spmem:s4] =	stream.indirect.scatter.add.f32 [tilespmem:s20], [sflag:$0x3], $0x40, s2, s22, $0xb8;
	[tilespmem:$0x1AA00] =	vst v63  }
0x4a: {  	_ =	swait.ge [sflag:s19], $0x2000  }
0x4b: {  	[sflag:s19] =	ssyncset.done $0x0  }
0x4c: {  	[sflag:s19] =	ssyncadd.s32 $0xFFFFE000  }
0x4d: {  	[spmem:s3] =	stream.indirect.scatter.add.f32 [tilespmem:s25], [sflag:$0x3], $0x8, s2, s22, $0xb8;
	[tilespmem:$0x1AA00] =	vst v63  }
0x4e: {  	_ =	swait.ge [sflag:s19], $0x400  }
0x4f: {  	[sflag:s19] =	ssyncset.done $0x0  }
0x50: {  	s2 =	simm.s32 $0x100;
	[sflag:s19] =	ssyncadd.s32 $0xFFFFFC00  }
0x51: {  	[tilespmem:s20], [sflag:$0x1] =	stream.indirect.gather [hbm4b:s6+s22], $0x40, s2, s22, $0xb8;
	[tilespmem:$0x1AA00] =	vst v63  }
0x52: {  	_ =	swait.ge [sflag:s26], $0x2000  }
0x53: {  	[sflag:s26] =	ssyncset.done $0x0  }
0x54: {  	s2 =	simm.s32 $0x4F80;
	[sflag:s26] =	ssyncadd.s32 $0xFFFFE000  }
0x55: {  	[spmem:s4] =	stream.indirect.scatter.add.f32 [tilespmem:s23], [sflag:$0x3], $0x40, s2, s22, $0xb8;
	[tilespmem:$0x1AA00] =	vst v63  }
0x56: {  	_ =	swait.ge [sflag:s19], $0x2000  }
0x57: {  	[sflag:s19] =	ssyncset.done $0x0  }
0x58: {  	[sflag:s19] =	ssyncadd.s32 $0xFFFFE000  }
0x59: {  	[spmem:s3] =	stream.indirect.scatter.add.f32 [tilespmem:s25], [sflag:$0x3], $0x8, s2, s22, $0xb8;
	[tilespmem:$0x1AA00] =	vst v63  }
0x5a: {  	_ =	swait.ge [sflag:s19], $0x400  }
0x5b: {  	[sflag:s19] =	ssyncset.done $0x0  }
0x5c: {  	s31 =	simm.s32 $0x400;
	s2 =	simm.s32 $0x180;
	[sflag:s19] =	ssyncadd.s32 $0xFFFFFC00  }
.LBB2_4:
0x5d: {  	[tilespmem:s23], [sflag:$0x2] =	stream.indirect.gather [hbm4b:s6+s22], $0x40, s2, s22, $0xb8;
	[tilespmem:$0x1AA00] =	vst v63  }
0x5e: {  	s1 =	smov.u32 s31  }
0x5f: {  	p1 =	sne.s32 s31, $0x13400;
	s31 =	sadd.s32 $0x400, s31;
	_ =	swait.ge [sflag:s24], $0x2000  }
0x60: {  	s1 =	sshra.s32 s1, $0x2;
	[sflag:s24] =	ssyncset.done $0x0  }
0x61: {  	s2 =	sadd.s32 $0x4F00, s1;
	[sflag:s24] =	ssyncadd.s32 $0xFFFFE000  }
0x62: {  	[spmem:s4] =	stream.indirect.scatter.add.f32 [tilespmem:s20], [sflag:$0x3], $0x40, s2, s22, $0xb8;
	[tilespmem:$0x1AA00] =	vst v63  }
0x63: {  	_ =	swait.ge [sflag:s19], $0x2000  }
0x64: {  	[sflag:s19] =	ssyncset.done $0x0  }
0x65: {  	[sflag:s19] =	ssyncadd.s32 $0xFFFFE000  }
0x66: {  	[spmem:s3] =	stream.indirect.scatter.add.f32 [tilespmem:s25], [sflag:$0x3], $0x8, s2, s22, $0xb8;
	[tilespmem:$0x1AA00] =	vst v63  }
0x67: {  	_ =	swait.ge [sflag:s19], $0x400  }
0x68: {  	[sflag:s19] =	ssyncset.done $0x0  }
0x69: {  	s2 =	sadd.s32 $0x100, s1;
	[sflag:s19] =	ssyncadd.s32 $0xFFFFFC00  }
0x6a: {  	[tilespmem:s20], [sflag:$0x1] =	stream.indirect.gather [hbm4b:s6+s22], $0x40, s2, s22, $0xb8;
	[tilespmem:$0x1AA00] =	vst v63  }
0x6b: {  	_ =	swait.ge [sflag:s26], $0x2000  }
0x6c: {  	[sflag:s26] =	ssyncset.done $0x0  }
0x6d: {  	s2 =	sadd.s32 $0x4F80, s1;
	[sflag:s26] =	ssyncadd.s32 $0xFFFFE000  }
0x6e: {  	[spmem:s4] =	stream.indirect.scatter.add.f32 [tilespmem:s23], [sflag:$0x3], $0x40, s2, s22, $0xb8;
	[tilespmem:$0x1AA00] =	vst v63  }
0x6f: {  	_ =	swait.ge [sflag:s19], $0x2000  }
0x70: {  	[sflag:s19] =	ssyncset.done $0x0  }
.Ltmp1:
0x71: {  	[sflag:s19] =	ssyncadd.s32 $0xFFFFE000;
	(pc) =	sbr.rel @p1 .LBB2_4-.Ltmp1, $4  }
0x72: {  	[spmem:s3] =	stream.indirect.scatter.add.f32 [tilespmem:s25], [sflag:$0x3], $0x8, s2, s22, $0xb8;
	[tilespmem:$0x1AA00] =	vst v63  }
0x73: {  	_ =	swait.ge [sflag:s19], $0x400  }
0x74: {  	[sflag:s19] =	ssyncset.done $0x0  }
0x75: {  	s2 =	sadd.s32 $0x180, s1;
	[sflag:s19] =	ssyncadd.s32 $0xFFFFFC00  }
0x76: {  	[tilespmem:s23], [sflag:$0x2] =	stream.indirect.gather [hbm4b:s6+s22], $0x40, s2, s22, $0xb8;
	[tilespmem:$0x1AA00] =	vst v63  }
0x77: {  	_ =	swait.ge [sflag:s24], $0x2000  }
0x78: {  	[sflag:s24] =	ssyncset.done $0x0  }
0x79: {  	[sflag:s24] =	ssyncadd.s32 $0xFFFFE000  }
0x7a: {  	[spmem:s4] =	stream.indirect.scatter.add.f32 [tilespmem:s20], [sflag:$0x3], $0x40, s28, s22, $0xb8;
	[tilespmem:$0x1AA00] =	vst v63  }
0x7b: {  	_ =	swait.ge [sflag:s19], $0x2000  }
0x7c: {  	[sflag:s19] =	ssyncset.done $0x0  }
0x7d: {  	[sflag:s19] =	ssyncadd.s32 $0xFFFFE000  }
0x7e: {  	[spmem:s3] =	stream.indirect.scatter.add.f32 [tilespmem:s25], [sflag:$0x3], $0x8, s28, s22, $0xb8;
	[tilespmem:$0x1AA00] =	vst v63  }
0x7f: {  	_ =	swait.ge [sflag:s19], $0x400  }
0x80: {  	[sflag:s19] =	ssyncset.done $0x0  }
0x81: {  	[sflag:s19] =	ssyncadd.s32 $0xFFFFFC00  }
0x82: {  	_ =	swait.ge [sflag:s26], $0x2000  }
0x83: {  	[sflag:s26] =	ssyncset.done $0x0  }
0x84: {  	[sflag:s26] =	ssyncadd.s32 $0xFFFFE000  }
0x85: {  	[spmem:s4] =	stream.indirect.scatter.add.f32 [tilespmem:s23], [sflag:$0x3], $0x40, s29, s22, $0xb8;
	[tilespmem:$0x1AA00] =	vst v63  }
0x86: {  	_ =	swait.ge [sflag:s19], $0x2000  }
0x87: {  	[sflag:s19] =	ssyncset.done $0x0  }
0x88: {  	[sflag:s19] =	ssyncadd.s32 $0xFFFFE000  }
0x89: {  	[spmem:s3] =	stream.indirect.scatter.add.f32 [tilespmem:s25], [sflag:$0x3], $0x8, s29, s22, $0xb8;
	[tilespmem:$0x1AA00] =	vst v63  }
0x8a: {  	_ =	swait.ge [sflag:s19], $0x400  }
0x8b: {  	[sflag:s19] =	ssyncset.done $0x0  }
0x8c: {  	s1 =	sshll.u32 s0, $0x6;
	[sflag:s19] =	ssyncadd.s32 $0xFFFFFC00  }
0x8d: {  	s31 =	sshrl.u32 s8, $0x3;
	s1 =	sor.u32 $0x1C03, s1;
	[bflag:$0x0] =	sbarrier.arrive $0xFFFF  }
0x8e: {  	[hbm:s15], [sflag:s1] =	dma.local [spmem:s31], $0x1400  }
0x8f: {  	_ =	swait.ge [sflag:s19], $0x1400  }
0x90: {  	s30 =	sadd.s32 $0x1, s30;
	[sflag:s19] =	ssyncset.done $0x0  }
0x91: {  	s2 =	sshrl.u32 @!p0 s7, $0x3;
	p1 =	sne.s32 s30, s17;
	[sflag:s19] =	ssyncadd.s32 $0xFFFFEC00  }
0x92: {  	[hbm:s16], [sflag:s1] =	dma.local @!p0 [spmem:s2], $0x280  }
.Ltmp2:
0x93: {  	_ = 	snop;
	(pc) =	sbr.rel @p1 .LBB2_1-.Ltmp2, $4  }
0x94: {  	s1 =	simm.s32 @!p0 $0x3  }
0x95: {  	_ =	swait.ge @!p0 [sflag:s1], $0x280  }
0x96: {  	[sflag:s1] =	ssyncset.done @!p0 $0x0  }
0x97: {  	[sflag:s1] =	ssyncadd.s32 @!p0 $0xFFFFFD80  }
0x98: {  	_ =	sfence.sel $0x180000  }
0x99: {  	[bflag:$0x0] =	sbarrier.arrive $0xFFFF  }
0x9a: {  	_ =	strace $0x9000004A  }
0x9b: {  	[bflag:$0x2] =	sbarrier.arrive $0xFFFF  }
0x9c: {  	p0 =	sne.s32 s0, $0x0;
	s0 =	rddreg [dreg:$0x4]  }
0x9d: {  	s0 =	sadd.s32 @!p0 $0x100000, s0  }
0x9e: {  	[sflag:s0] =	ssyncadd.tile.s32 @!p0 $0x1;
	_ =	shalt  }
.Lfunc_end2:
_tile_overlayer_lowered:
.L_overlay_start_2:
0x9f: {  	(tag) =	ssettag $0x2  }
0xa0: {  	s0 =	rddreg [dreg:$0x0];
	s2 =	stileid.u32  }
0xa1: {  	s1 =	rddreg [dreg:$0x1];
	p0 =	sne.s32 s2, $0x0  }
0xa2: {  	s3 =	rddreg [dreg:$0x2];
	[bflag:$0x3] =	sbarrier.arrive $0xFFFF;
	s2 =	simm.s32 @!p0 $0x1C03  }
0xa3: {  	[timem:s3], [sflag:s2] =	dma.local @!p0 [hbm:s0], s1  }
0xa4: {  	s0 =	simm.s32 @!p0 $0x3  }
0xa5: {  	_ =	swait.ge @!p0 [sflag:s0], s1  }
0xa6: {  	s1 =	ssub.s32 @!p0 $0x0, s1;
	[sflag:s0] =	ssyncset.done @!p0 $0x0  }
0xa7: {  	[sflag:s0] =	ssyncadd.s32 @!p0 s1  }
0xa8: {  	[bflag:$0x3] =	sbarrier.arrive $0xFFFF  }
0xa9: {  	_ =	shalt  }

// kernel: kernel.4.cloned.1.call-start
scs
__scs_entry_jumppad:
0x0: {  	(pc) =	sbr.rel $0x88, $3  }
0x1: {  	(tag) =	ssettag $0x0;
	lr =	simm.s32 $0x1  }
0x2: {  	[smem:$0x3F93] =	sst lr;
	_ =	strace $0xD0000000  }
0x3: {  	_ = 	snop  }
0x4: {  	_ = 	snop  }
0x5: {  	_ = 	snop  }
0x6: {  	_ = 	snop  }
0x7: {  	_ = 	snop  }
__scs_overlays_trampoline_lowered:
0x8: {  	[smem:$0x3FA2] =	sst s0  }
0x9: {  	[smem:$0x3FA3] =	sst s1  }
0xa: {  	[smem:$0x3FA4] =	sst s2  }
0xb: {  	[smem:$0x3FA5] =	sst s3  }
0xc: {  	[smem:$0x3FA6] =	sst s4  }
0xd: {  	[smem:$0x3FA7] =	sst s5  }
0xe: {  	[smem:$0x3FA8] =	sst s6  }
0xf: {  	[smem:$0x3FA9] =	sst s7  }
0x10: {  	[smem:$0x3FAA] =	sst s8  }
0x11: {  	[smem:$0x3FAB] =	sst s9;
	s0 =	simm.s32 @!p0 $0x0  }
0x12: {  	s1 =	sld [smem:$0x3F91];
	s0 =	simm.s32 @p0 $0x1  }
0x13: {  	[smem:$0x3FAC] =	sst s0;
	s0 =	simm.s32 @!p1 $0x0  }
0x14: {  	s2 =	sld [smem:$0x3F90];
	s0 =	simm.s32 @p1 $0x1  }
0x15: {  	[smem:$0x3FAD] =	sst s0;
	s0 =	simm.s32 @!p2 $0x0  }
0x16: {  	s3 =	sld [smem:$0x3FDB];
	s0 =	simm.s32 @p2 $0x1  }
0x17: {  	s4 =	simm.s32 $0x1BF5;
	[smem:$0x3FAF] =	sst s0  }
0x18: {  	s0 =	sld [smem:$0x3F92];
	_ =	swait.ge [sflag:s4], $0x0  }
0x19: {  	s7 =	sld [smem:$0x3F93]  }
0x1a: {  	s8 =	sadd.s32 $0xFFFFE003, lr  }
0x1b: {  	s9 =	sadd.s32 $0xFFFFFEF7, lr;
	s5 =	simm.s32 $0xFFFFFFFF;
	p2 =	slt.u32 s8, $0xFFFFF086  }
0x1c: {  	p1 =	slt.u32 s9, $0xF7A;
	s5 =	simm.s32 @!p2 $0x0  }
0x1d: {  	s5 =	simm.s32 @p1 $0x1;
	p0 =	seq.s32 s7, s2  }
0x1e: {  	s7 =	smul.u32 @!p0 $0xF7A, s2;
	p2 =	seq.s32 @!p0 s5, $0x0  }
0x1f: {  	s9 =	smul.u32 $0xF7A, s1;
	s8 =	simm.s32 @!p0 $0x1BF5;
	p2 =	por !p2, p0  }
0x20: {  	[sflag:s8] =	ssyncset.s32 @!p0 $0xFFFFF086;
	s6 =	sadd.s32 @!p0 s3, s7;
	s7 =	simm.s32 @!p0 $0x108  }
0x21: {  	s3 =	sadd.s32 s3, s9;
	s6 =	sadd.s32 @!p0 $0x88, s6;
	s7 =	simm.s32 @p2 $0x1082  }
0x22: {  	[simem:s7], [sflag:s8] =	dma.local @!p0 [hbm:s6], $0xF7A  }
0x23: {  	s9 =	sor.u32 $0xD0000000, s2;
	s6 =	simm.s32 $0x108;
	_ =	swait.ge @!p0 [sflag:s8], $0x0  }
0x24: {  	s3 =	sadd.s32 $0x88, s3;
	s6 =	simm.s32 @!p1 $0x1082;
	[sflag:s4] =	ssyncset.s32 $0xFFFFF086  }
0x25: {  	[simem:s6], [sflag:s4] =	dma.local [hbm:s3], $0xF7A  }
0x26: {  	[smem:$0x3F93] =	sst s1;
	(tag) =	ssettag s2;
	_ =	strace s9  }
0x27: {  	s1 =	sld [smem:$0x3FA3]  }
0x28: {  	s2 =	sld [smem:$0x3FA4]  }
0x29: {  	s4 =	sld [smem:$0x3FA6]  }
0x2a: {  	p0 =	seq.s32 s5, $0x0;
	s5 =	sld [smem:$0x3FA7]  }
0x2b: {  	s6 =	sld [smem:$0x3FA8]  }
0x2c: {  	s7 =	sld [smem:$0x3FA9]  }
0x2d: {  	s3 =	simm.s32 $0x108;
	s8 =	sld [smem:$0x3FAA]  }
0x2e: {  	s3 =	simm.s32 @!p0 $0x1082;
	s9 =	sld [smem:$0x3FAB]  }
0x2f: {  	lr =	sadd.s32 s0, s3;
	s0 =	sld [smem:$0x3FA2]  }
0x30: {  	s3 =	sld [smem:$0x3FA5]  }
0x31: {  	[smem:$0x3FAE] =	sst s10  }
0x32: {  	s10 =	sld [smem:$0x3FAC];
	_ =	sdelay $0x3  }
0x33: {  	p0 =	seq.s32 s10, $0x1;
	s10 =	sld [smem:$0x3FAE];
	_ =	sdelay $0x3  }
0x34: {  	[smem:$0x3FAE] =	sst s10  }
0x35: {  	s10 =	sld [smem:$0x3FAD];
	_ =	sdelay $0x3  }
0x36: {  	p1 =	seq.s32 s10, $0x1;
	s10 =	sld [smem:$0x3FAE];
	_ =	sdelay $0x3  }
0x37: {  	[smem:$0x3FAE] =	sst s10  }
0x38: {  	s10 =	sld [smem:$0x3FAF]  }
0x39: {  	_ = 	snop;
	(pc) =	sbr.ind lr, $3  }
0x3a: {  	_ = 	snop  }
0x3b: {  	_ = 	snop  }
0x3c: {  	p2 =	seq.s32 s10, $0x1;
	s10 =	sld [smem:$0x3FAE]  }
0x3d: {  	_ =	shalt  }
0x3e: {  	_ =	shalt  }
0x3f: {  	_ =	shalt  }
0x40: {  	_ =	shalt  }
0x41: {  	_ =	shalt  }
0x42: {  	_ =	shalt  }
0x43: {  	_ =	shalt  }
0x44: {  	_ =	shalt  }
0x45: {  	_ =	shalt  }
0x46: {  	_ =	shalt  }
0x47: {  	_ =	shalt  }
0x48: {  	_ =	shalt  }
0x49: {  	_ =	shalt  }
0x4a: {  	_ =	shalt  }
0x4b: {  	_ =	shalt  }
0x4c: {  	_ =	shalt  }
0x4d: {  	_ =	shalt  }
0x4e: {  	_ =	shalt  }
0x4f: {  	_ =	shalt  }
0x50: {  	_ =	shalt  }
0x51: {  	_ =	shalt  }
0x52: {  	_ =	shalt  }
0x53: {  	_ =	shalt  }
0x54: {  	_ =	shalt  }
0x55: {  	_ =	shalt  }
0x56: {  	_ =	shalt  }
0x57: {  	_ =	shalt  }
0x58: {  	_ =	shalt  }
0x59: {  	_ =	shalt  }
0x5a: {  	_ =	shalt  }
0x5b: {  	_ =	shalt  }
0x5c: {  	_ =	shalt  }
0x5d: {  	_ =	shalt  }
0x5e: {  	_ =	shalt  }
0x5f: {  	_ =	shalt  }
0x60: {  	_ =	shalt  }
0x61: {  	_ =	shalt  }
0x62: {  	_ =	shalt  }
0x63: {  	_ =	shalt  }
0x64: {  	_ =	shalt  }
0x65: {  	_ =	shalt  }
0x66: {  	_ =	shalt  }
0x67: {  	_ =	shalt  }
0x68: {  	_ =	shalt  }
0x69: {  	_ =	shalt  }
0x6a: {  	_ =	shalt  }
0x6b: {  	_ =	shalt  }
0x6c: {  	_ =	shalt  }
0x6d: {  	_ =	shalt  }
0x6e: {  	_ =	shalt  }
0x6f: {  	_ =	shalt  }
0x70: {  	_ =	shalt  }
0x71: {  	_ =	shalt  }
0x72: {  	_ =	shalt  }
0x73: {  	_ =	shalt  }
0x74: {  	_ =	shalt  }
0x75: {  	_ =	shalt  }
0x76: {  	_ =	shalt  }
0x77: {  	_ =	shalt  }
0x78: {  	_ =	shalt  }
0x79: {  	_ =	shalt  }
0x7a: {  	_ =	shalt  }
0x7b: {  	_ =	shalt  }
0x7c: {  	_ =	shalt  }
0x7d: {  	_ =	shalt  }
0x7e: {  	_ =	shalt  }
0x7f: {  	_ =	shalt  }
0x80: {  	_ =	shalt  }
0x81: {  	_ =	shalt  }
0x82: {  	_ =	shalt  }
0x83: {  	_ =	shalt  }
0x84: {  	_ =	shalt  }
0x85: {  	_ =	shalt  }
0x86: {  	_ =	shalt  }
0x87: {  	_ =	shalt  }
.Lfunc_end0:
.L_simem_size_0:
called_computation.1_lowered:
.L_overlay_start_0:
0x88: {  	s2 =	sld [smem:$0x3FD9]  }
0x89: {  	s3 =	sld [smem:$0x3FFE];
	_ =	sdelay $0x1  }
0x8a: {  	s1 =	srdreg.scid  }
0x8b: {  	s0 =	sand.u32 $0x1, s1  }
0x8c: {  	s16 =	sshll.u32 s0, $0xA;
	s2 =	sadd.s32 s3, s2  }
0x8d: {  	s2 =	sadd.s32 s2, s16  }
0x8e: {  	[smem:$0x3FBA] =	sst s2  }
0x8f: {  	_ = 	snop  }
0x90: {  	(tm) =	ssettm $0x1  }
0x91: {  	s17 =	sld [smem:$0x3FFB];
	_ =	sdelay $0x3  }
0x92: {  	_ =	strace s17  }
0x93: {  	s2 =	sld [smem:$0x3FFC];
	_ =	sdelay $0x3  }
0x94: {  	_ =	strace s2  }
0x95: {  	s2 =	sld [smem:$0x3FFD];
	_ =	sdelay $0x3  }
0x96: {  	_ =	strace s2  }
0x97: {  	_ =	strace $0x8FFFFFFF  }
0x98: {  	s18 =	sld [smem:$0x3FDB];
	_ =	sdelay $0x1  }
0x99: {  	s19 =	simm.s32 $_scs_section_size  }
0x9a: {  	s4 =	simm.s32 $_size__tile_overlayer_lowered;
	s5 =	simm.s32 $_tile_overlayer_lowered  }
0x9b: {  	s22 =	simm.s32 $0x1BFF;
	s21 =	sshll.u32 s5, $0x1;
	s2 =	sadd.s32 s19, s18  }
0x9c: {  	s6 =	simm.s32 $0x0;
	s20 =	sshll.u32 s4, $0x1;
	s4 =	sadd.s32 s21, s2  }
0x9d: {  	[timem:s6], [sflag:s22] =	dma.local [hbm:s4], s20  }
0x9e: {  	_ =	swait.ge [sflag:s22], s20  }
0x9f: {  	s3 =	ssub.s32 $0x0, s20;
	[sflag:s22] =	ssyncset.done $0x0  }
0xa0: {  	[sflag:s22] =	ssyncadd.s32 s3;
	_ =	sdelay $0x1  }
0xa1: {  	s23 =	simm.s32 $0x1B8B  }
0xa2: {  	_ =	swait.ge [sflag:s23], $0x1  }
0xa3: {  	[sflag:s23] =	ssyncset.done $0x0  }
0xa4: {  	s25 =	simm.s32 $0x1B8E;
	s24 =	sld [smem:$0x3FFE];
	[sflag:s23] =	ssyncadd.s32 $0xFFFFFFFF  }
0xa5: {  	s26 =	simm.s32 $execute0_lowered;
	[smem:$0x3FD2] =	sst s25  }
0xa6: {  	s4 =	sshll.u32 s26, $0x1;
	_ =	strace $0x80000046;
	[dreg:$0x1] =	wrdreg $0xFFFFFFFF  }
0xa7: {  	s28 =	simm.s32 $_size_execute0_lowered;
	s2 =	sadd.s32 s2, s4;
	[dreg:$0x0] =	wrdreg $0x0  }
0xa8: {  	s4 =	sshll.u32 s28, $0x1;
	[dreg:$0x2] =	wrdreg s2  }
0xa9: {  	[dreg:$0x3] =	wrdreg s4  }
0xaa: {  	[dreg:$0x4] =	wrdreg $0xC0  }
0xab: {  	_ =	task [dreg:s6], $0x5FFFF  }
0xac: {  	[dreg:$0x1] =	wrdreg $0xFFFFFFFF  }
0xad: {  	[dreg:$0x0] =	wrdreg $0x60  }
0xae: {  	[dreg:$0x2] =	wrdreg s24  }
0xaf: {  	[dreg:$0x3] =	wrdreg $0x9  }
0xb0: {  	_ =	task.clear_ibuf [dreg:s6], $0x4FFFF;
	_ =	strace $0x90000046  }
0xb1: {  	s29 =	simm.s32 $0x9;
	_ =	strace $0x80000048  }
0xb2: {  	_ =	swait.ge [sflag:s29], $0x1  }
0xb3: {  	[sflag:s29] =	ssyncadd.s32 $0xFFFFFFFF  }
0xb4: {  	_ =	strace $0x90000048  }
0xb5: {  	_ =	sfence  }
0xb6: {  	s30 =	sld [smem:$0x0];
	_ =	sdelay $0x2  }
0xb7: {  	s31 =	sshll.u32 s1, $0xD;
	s1 =	sshrl.u32 s1, $0x2  }
0xb8: {  	s3 =	sand.u32 $0x4000, s31;
	s1 =	sadd.s32 s1, s30  }
0xb9: {  	s0 =	sor.u32 s3, s0;
	s1 =	sshll.u32 s1, $0x11  }
0xba: {  	s0 =	sor.u32 s1, s0  }
0xbb: {  	s0 =	sadd.s32 $0x8F2B, s0  }
0xbc: {  	[sflag:s0] =	ssyncadd.remote.s32 $0x1  }
0xbd: {  	_ =	sfence.sel $0xFFFF  }
0xbe: {  	[dreg:$0x0] =	wrdreg $0xFFFFFFFF;
	(pc) =	sbr.abs _section_cstart, $3  }
0xbf: {  	[dreg:$0x1] =	wrdreg $0xFFFFFFFF  }
0xc0: {  	_ =	task.clear_ibuf [dreg:s6], $0x2FFFF;
	_ =	strace $0x9FFFFFFF  }
0xc1: {  	(tm) =	ssettm $0x7FFFFFFF  }
tec
execute0_lowered:
.L_overlay_start_1:
0x0: {  	(tag) =	ssettag $0x1  }
0x1: {  	s4 =	rddreg [dreg:$0x0]  }
0x2: {  	s1 =	srdreg.scid;
	s0 =	rddreg [dreg:$0x1]  }
0x3: {  	s2 =	simm.s32 $0x0;
	s11 =	simm.s32 $0x3;
	s12 =	simm.s32 $0x400  }
0x4: {  	s13 =	simm.s32 $0x80;
	s14 =	simm.s32 $0x800;
	s15 =	simm.s32 $0x4800  }
0x5: {  	s16 =	simm.s32 $0x8800;
	s17 =	simm.s32 $0x480;
	s18 =	simm.s32 $0xC800  }
0x6: {  	s19 =	simm.s32 $0x1;
	s20 =	simm.s32 $0x2;
	s21 =	simm.s32 $0x0  }
0x7: {  	s3 =	sand.u32 $0x1, s1;
	s1 =	stileid.u32;
	[smem:$0x7FF] =	sst s2  }
0x8: {  	s5 =	sshll.u32 s3, $0x4;
	_ =	strace $0x80000047;
	s6 =	ssub.s32 $0x2, s3  }
0x9: {  	s3 =	sadd.s32 $0x24C00, s4;
	s7 =	sor.u32 s1, s5;
	s31 =	sshrl.u32 s6, $0x1  }
0xa: {  	s5 =	sshll.u32 s7, $0x7;
	s10 =	ssub.s32 s6, s31;
	s9 =	sshll.u32 s7, $0xE  }
0xb: {  	s7 =	sshll.u32 s7, $0x3;
	s8 =	sadd.s32 s5, s4;
	s4 =	sadd.s32 $0x4BE00, s4  }
0xc: {  	s10 =	smax.u32 s10, $0x1;
	s5 =	sadd.s32 $0x22C00, s8;
	s9 =	sadd.s32 s9, s4  }
0xd: {  	s6 =	sadd.s32 $0x23C00, s8;
	s8 =	sadd.s32 $0x3000, s9;
	s9 =	sadd.s32 $0x3800, s9  }
.LBB2_1:
0xe: {  	[tilespmem:s2], [sflag:$0x3] =	stream.linear.gather [hbm4b:s5+s2], $0x400, $0x38;
	[tilespmem:$0x10800] =	vst v63  }
0xf: {  	_ =	swait.ge [sflag:s11], $0x400  }
0x10: {  	[sflag:s11] =	ssyncset.done $0x0  }
0x11: {  	[sflag:s11] =	ssyncadd.s32 $0xFFFFFC00  }
0x12: {  	[tilespmem:s12], [sflag:$0x3] =	stream.linear.gather [hbm4b:s6+s2], $0x400, $0x38;
	[tilespmem:$0x10800] =	vst v63  }
0x13: {  	_ =	swait.ge [sflag:s11], $0x400  }
0x14: {  	[sflag:s11] =	ssyncset.done $0x0  }
0x15: {  	[sflag:s11] =	ssyncadd.s32 $0xFFFFFC00  }
0x16: {  	[tilespmem:s14], [sflag:$0x1] =	stream.indirect.gather [hbm4b:s3+s13], $0x80, s2, s13, $0xb8;
	[tilespmem:$0x10800] =	vst v63  }
0x17: {  	_ = 	snop  }
0x18: {  	[tilespmem:s15], [sflag:$0x1] =	stream.indirect.gather [hbm4b:s3+s13], $0x80, s12, s13, $0xb8;
	[tilespmem:$0x10800] =	vst v63  }
0x19: {  	_ = 	snop  }
0x1a: {  	[tilespmem:s16], [sflag:$0x2] =	stream.indirect.gather [hbm4b:s3+s13], $0x80, s13, s13, $0xb8;
	[tilespmem:$0x10800] =	vst v63  }
0x1b: {  	s22 =	simm.s32 $0x0  }
0x1c: {  	[tilespmem:s18], [sflag:$0x2] =	stream.indirect.gather [hbm4b:s3+s13], $0x80, s17, s13, $0xb8;
	[tilespmem:$0x10800] =	vst v63  }
.LBB2_2:
0x1d: {  	_ =	swait.ge [sflag:s19], $0x4000  }
0x1e: {  	[sflag:s19] =	ssyncset.done $0x0  }
0x1f: {  	[sflag:s19] =	ssyncadd.s32 $0xFFFFC000  }
0x20: {  	_ =	swait.ge [sflag:s19], $0x4000  }
0x21: {  	[sflag:s19] =	ssyncset.done $0x0  }
0x22: {  	s23 =	simm.s32 $0x0;
	[sflag:s19] =	ssyncadd.s32 $0xFFFFC000  }
0x23: {  	v7 =	vld [tilespmem:s23+$0x4800]  }
0x24: {  	v11 =	vld [tilespmem:s23+$0x4810]  }
0x25: {  	v5 =	vld [tilespmem:s23+$0x4820]  }
0x26: {  	v4 =	vld [tilespmem:s23+$0x4830]  }
0x27: {  	v3 =	vld [tilespmem:s23+$0x4840]  }
0x28: {  	v2 =	vld [tilespmem:s23+$0x4850]  }
0x29: {  	v1 =	vld [tilespmem:s23+$0x4860]  }
0x2a: {  	v0 =	vld [tilespmem:s23+$0x4870]  }
0x2b: {  	v12 =	vld [tilespmem:s23+$0x800]  }
0x2c: {  	v13 =	vld [tilespmem:s23+$0x810]  }
0x2d: {  	v10 =	vld [tilespmem:s23+$0x820]  }
0x2e: {  	v9 =	vld [tilespmem:s23+$0x830]  }
0x2f: {  	v8 =	vld [tilespmem:s23+$0x840]  }
0x30: {  	v6 =	vld [tilespmem:s23+$0x850];
	v12 =	vmul.f32 v7, v12  }
0x31: {  	s24 =	simm.s32 $0x200;
	v11 =	vmul.f32 v11, v13;
	v7 =	vld [tilespmem:s23+$0x860]  }
.LBB2_3:
0x32: {  	s25 =	sshra.s32 s24, $0x2;
	p0 =	sne.s32 s24, $0xFE00;
	[tilespmem:s23+$0x800] =	vst v12;
	v5 =	vmul.f32 v5, v10;
	v10 =	vld [tilespmem:s23+$0x870]  }
0x33: {  	v12 =	vld [tilespmem:s25+$0x4800];
	[tilespmem:s23+$0x810] =	vst v11;
	v4 =	vmul.f32 v4, v9  }
0x34: {  	v11 =	vld [tilespmem:s25+$0x4810];
	[tilespmem:s23+$0x820] =	vst v5;
	v3 =	vmul.f32 v3, v8  }
0x35: {  	v5 =	vld [tilespmem:s25+$0x4820];
	[tilespmem:s23+$0x830] =	vst v4;
	v2 =	vmul.f32 v2, v6  }
0x36: {  	v4 =	vld [tilespmem:s25+$0x4830];
	[tilespmem:s23+$0x840] =	vst v3;
	v1 =	vmul.f32 v1, v7  }
0x37: {  	v3 =	vld [tilespmem:s25+$0x4840];
	[tilespmem:s23+$0x850] =	vst v2;
	v0 =	vmul.f32 v0, v10  }
0x38: {  	v2 =	vld [tilespmem:s25+$0x4850];
	[tilespmem:s23+$0x860] =	vst v1  }
0x39: {  	v1 =	vld [tilespmem:s25+$0x4860];
	[tilespmem:s23+$0x870] =	vst v0;
	s23 =	smov.u32 s25  }
0x3a: {  	v0 =	vld [tilespmem:s23+$0x4870]  }
0x3b: {  	v6 =	vld [tilespmem:s23+$0x800]  }
0x3c: {  	v7 =	vld [tilespmem:s23+$0x810]  }
.Ltmp0:
0x3d: {  	v10 =	vld [tilespmem:s23+$0x820];
	(pc) =	sbr.rel @p0 .LBB2_3-.Ltmp0, $4  }
0x3e: {  	v9 =	vld [tilespmem:s23+$0x830]  }
0x3f: {  	v8 =	vld [tilespmem:s23+$0x840]  }
0x40: {  	v12 =	vmul.f32 v12, v6;
	v6 =	vld [tilespmem:s23+$0x850]  }
0x41: {  	s24 =	sadd.s32 $0x200, s24;
	v11 =	vmul.f32 v11, v7;
	v7 =	vld [tilespmem:s23+$0x860]  }
0x42: {  	[tilespmem:s23+$0x800] =	vst v12;
	v5 =	vmul.f32 v5, v10;
	v10 =	vld [tilespmem:s23+$0x870]  }
0x43: {  	[tilespmem:s23+$0x810] =	vst v11;
	v4 =	vmul.f32 v4, v9  }
0x44: {  	[tilespmem:s23+$0x820] =	vst v5;
	v3 =	vmul.f32 v3, v8  }
0x45: {  	[tilespmem:s23+$0x830] =	vst v4;
	v2 =	vmul.f32 v2, v6  }
0x46: {  	s24 =	sshll.u32 s22, $0x1;
	[tilespmem:s23+$0x840] =	vst v3;
	v1 =	vmul.f32 v1, v7  }
0x47: {  	s25 =	sadd.s32 s7, s24;
	[tilespmem:s23+$0x850] =	vst v2;
	v0 =	vmul.f32 v0, v10  }
0x48: {  	s25 =	sshll.u32 s25, $0xB;
	[tilespmem:s23+$0x860] =	vst v1  }
0x49: {  	s29 =	simm.s32 $0x0;
	s28 =	sadd.s32 s4, s25;
	[tilespmem:s23+$0x870] =	vst v0  }
0x4a: {  	[hbm4b:s28+s29] =	stream.linear.scatter [tilespmem:s14], [sflag:$0x3], $0x4000, $0x38;
	[tilespmem:$0x10800] =	vst v63  }
0x4b: {  	_ =	swait.ge [sflag:s11], $0x4000  }
0x4c: {  	s23 =	sshll.u32 s22, $0x8;
	[sflag:s11] =	ssyncset.done $0x0  }
0x4d: {  	s30 =	sadd.s32 $0x100, s23;
	[sflag:s11] =	ssyncadd.s32 $0xFFFFC000  }
0x4e: {  	[tilespmem:s14], [sflag:$0x1] =	stream.indirect.gather [hbm4b:s3+s13], $0x80, s30, s13, $0xb8;
	[tilespmem:$0x10800] =	vst v63  }
0x4f: {  	s31 =	sadd.s32 $0x500, s23  }
0x50: {  	[tilespmem:s15], [sflag:$0x1] =	stream.indirect.gather [hbm4b:s3+s13], $0x80, s31, s13, $0xb8;
	[tilespmem:$0x10800] =	vst v63  }
0x51: {  	_ =	swait.ge [sflag:s20], $0x4000  }
0x52: {  	[sflag:s20] =	ssyncset.done $0x0  }
0x53: {  	[sflag:s20] =	ssyncadd.s32 $0xFFFFC000  }
0x54: {  	_ =	swait.ge [sflag:s20], $0x4000  }
0x55: {  	[sflag:s20] =	ssyncset.done $0x0  }
0x56: {  	s25 =	simm.s32 $0x0;
	[sflag:s20] =	ssyncadd.s32 $0xFFFFC000  }
0x57: {  	v6 =	vld [tilespmem:s25+$0xC800]  }
0x58: {  	v11 =	vld [tilespmem:s25+$0xC810]  }
0x59: {  	v5 =	vld [tilespmem:s25+$0xC820]  }
0x5a: {  	v4 =	vld [tilespmem:s25+$0xC830]  }
0x5b: {  	v3 =	vld [tilespmem:s25+$0xC840]  }
0x5c: {  	v2 =	vld [tilespmem:s25+$0xC850]  }
0x5d: {  	v1 =	vld [tilespmem:s25+$0xC860]  }
0x5e: {  	v0 =	vld [tilespmem:s25+$0xC870]  }
0x5f: {  	v12 =	vld [tilespmem:s25+$0x8800]  }
0x60: {  	v13 =	vld [tilespmem:s25+$0x8810]  }
0x61: {  	v10 =	vld [tilespmem:s25+$0x8820]  }
0x62: {  	v9 =	vld [tilespmem:s25+$0x8830]  }
0x63: {  	v8 =	vld [tilespmem:s25+$0x8840]  }
0x64: {  	v7 =	vld [tilespmem:s25+$0x8850];
	v12 =	vmul.f32 v6, v12  }
0x65: {  	s26 =	simm.s32 $0x200;
	v11 =	vmul.f32 v11, v13;
	v6 =	vld [tilespmem:s25+$0x8860]  }
.LBB2_5:
0x66: {  	s28 =	sshra.s32 s26, $0x2;
	p0 =	sne.s32 s26, $0xFE00;
	[tilespmem:s25+$0x8800] =	vst v12;
	v5 =	vmul.f32 v5, v10;
	v10 =	vld [tilespmem:s25+$0x8870]  }
0x67: {  	v12 =	vld [tilespmem:s28+$0xC800];
	[tilespmem:s25+$0x8810] =	vst v11;
	v4 =	vmul.f32 v4, v9  }
0x68: {  	v11 =	vld [tilespmem:s28+$0xC810];
	[tilespmem:s25+$0x8820] =	vst v5;
	v3 =	vmul.f32 v3, v8  }
0x69: {  	v5 =	vld [tilespmem:s28+$0xC820];
	[tilespmem:s25+$0x8830] =	vst v4;
	v2 =	vmul.f32 v2, v7  }
0x6a: {  	v4 =	vld [tilespmem:s28+$0xC830];
	[tilespmem:s25+$0x8840] =	vst v3;
	v1 =	vmul.f32 v1, v6  }
0x6b: {  	v3 =	vld [tilespmem:s28+$0xC840];
	[tilespmem:s25+$0x8850] =	vst v2;
	v0 =	vmul.f32 v0, v10  }
0x6c: {  	v2 =	vld [tilespmem:s28+$0xC850];
	[tilespmem:s25+$0x8860] =	vst v1  }
0x6d: {  	v1 =	vld [tilespmem:s28+$0xC860];
	[tilespmem:s25+$0x8870] =	vst v0;
	s25 =	smov.u32 s28  }
0x6e: {  	v0 =	vld [tilespmem:s25+$0xC870]  }
0x6f: {  	v6 =	vld [tilespmem:s25+$0x8800]  }
0x70: {  	v13 =	vld [tilespmem:s25+$0x8810]  }
.Ltmp1:
0x71: {  	v10 =	vld [tilespmem:s25+$0x8820];
	(pc) =	sbr.rel @p0 .LBB2_5-.Ltmp1, $4  }
0x72: {  	v9 =	vld [tilespmem:s25+$0x8830]  }
0x73: {  	v8 =	vld [tilespmem:s25+$0x8840]  }
0x74: {  	v12 =	vmul.f32 v12, v6;
	v7 =	vld [tilespmem:s25+$0x8850]  }
0x75: {  	s26 =	sadd.s32 $0x200, s26;
	v11 =	vmul.f32 v11, v13;
	v6 =	vld [tilespmem:s25+$0x8860]  }
0x76: {  	[tilespmem:s25+$0x8800] =	vst v12;
	v5 =	vmul.f32 v5, v10;
	v63 =	vld [tilespmem:s25+$0x8870]  }
0x77: {  	[tilespmem:s25+$0x8810] =	vst v11;
	v4 =	vmul.f32 v4, v9  }
0x78: {  	[tilespmem:s25+$0x8820] =	vst v5;
	v3 =	vmul.f32 v3, v8  }
0x79: {  	s24 =	sadd.s32 s24, s7;
	[tilespmem:s25+$0x8830] =	vst v4;
	v2 =	vmul.f32 v2, v7  }
0x7a: {  	s24 =	sshll.u32 s24, $0xB;
	[tilespmem:s25+$0x8840] =	vst v3;
	v1 =	vmul.f32 v1, v6  }
0x7b: {  	s24 =	sadd.s32 $0x800, s24;
	[tilespmem:s25+$0x8850] =	vst v2;
	v0 =	vmul.f32 v0, v63  }
0x7c: {  	s24 =	sand.u32 $0x1FFFF800, s24;
	[tilespmem:s25+$0x8860] =	vst v1  }
0x7d: {  	s22 =	sadd.s32 $0x1, s22;
	s24 =	sadd.s32 s4, s24;
	[tilespmem:s25+$0x8870] =	vst v0  }
0x7e: {  	[hbm4b:s24+s2] =	stream.linear.scatter [tilespmem:s16], [sflag:$0x3], $0x4000, $0x38;
	[tilespmem:$0x10800] =	vst v63  }
0x7f: {  	p0 =	sne.s32 s22, $0x3;
	_ =	swait.ge [sflag:s11], $0x4000  }
.Ltmp2:
0x80: {  	[sflag:s11] =	ssyncset.done $0x0;
	(pc) =	sbr.rel @p0 .LBB2_2-.Ltmp2, $4  }
0x81: {  	s30 =	sadd.s32 $0x180, s23;
	[sflag:s11] =	ssyncadd.s32 $0xFFFFC000  }
0x82: {  	[tilespmem:s16], [sflag:$0x2] =	stream.indirect.gather [hbm4b:s3+s13], $0x80, s30, s13, $0xb8;
	[tilespmem:$0x10800] =	vst v63  }
0x83: {  	s31 =	sadd.s32 $0x580, s23  }
0x84: {  	[tilespmem:s18], [sflag:$0x2] =	stream.indirect.gather [hbm4b:s3+s13], $0x80, s31, s13, $0xb8;
	[tilespmem:$0x10800] =	vst v63  }
0x85: {  	_ =	swait.ge [sflag:s19], $0x4000  }
0x86: {  	[sflag:s19] =	ssyncset.done $0x0  }
0x87: {  	[sflag:s19] =	ssyncadd.s32 $0xFFFFC000  }
0x88: {  	_ =	swait.ge [sflag:s19], $0x4000  }
0x89: {  	[sflag:s19] =	ssyncset.done $0x0  }
0x8a: {  	s22 =	simm.s32 $0x0;
	[sflag:s19] =	ssyncadd.s32 $0xFFFFC000  }
0x8b: {  	v7 =	vld [tilespmem:s22+$0x4800]  }
0x8c: {  	v11 =	vld [tilespmem:s22+$0x4810]  }
0x8d: {  	v5 =	vld [tilespmem:s22+$0x4820]  }
0x8e: {  	v4 =	vld [tilespmem:s22+$0x4830]  }
0x8f: {  	v3 =	vld [tilespmem:s22+$0x4840]  }
0x90: {  	v2 =	vld [tilespmem:s22+$0x4850]  }
0x91: {  	v1 =	vld [tilespmem:s22+$0x4860]  }
0x92: {  	v0 =	vld [tilespmem:s22+$0x4870]  }
0x93: {  	v12 =	vld [tilespmem:s22+$0x800]  }
0x94: {  	v13 =	vld [tilespmem:s22+$0x810]  }
0x95: {  	v10 =	vld [tilespmem:s22+$0x820]  }
0x96: {  	v9 =	vld [tilespmem:s22+$0x830]  }
0x97: {  	v8 =	vld [tilespmem:s22+$0x840]  }
0x98: {  	v6 =	vld [tilespmem:s22+$0x850];
	v12 =	vmul.f32 v7, v12  }
0x99: {  	s23 =	simm.s32 $0x200;
	v11 =	vmul.f32 v11, v13;
	v7 =	vld [tilespmem:s22+$0x860]  }
.LBB2_8:
0x9a: {  	s24 =	sshra.s32 s23, $0x2;
	p0 =	sne.s32 s23, $0xFE00;
	[tilespmem:s22+$0x800] =	vst v12;
	v5 =	vmul.f32 v5, v10;
	v10 =	vld [tilespmem:s22+$0x870]  }
0x9b: {  	v12 =	vld [tilespmem:s24+$0x4800];
	[tilespmem:s22+$0x810] =	vst v11;
	v4 =	vmul.f32 v4, v9  }
0x9c: {  	v11 =	vld [tilespmem:s24+$0x4810];
	[tilespmem:s22+$0x820] =	vst v5;
	v3 =	vmul.f32 v3, v8  }
0x9d: {  	v5 =	vld [tilespmem:s24+$0x4820];
	[tilespmem:s22+$0x830] =	vst v4;
	v2 =	vmul.f32 v2, v6  }
0x9e: {  	v4 =	vld [tilespmem:s24+$0x4830];
	[tilespmem:s22+$0x840] =	vst v3;
	v1 =	vmul.f32 v1, v7  }
0x9f: {  	v3 =	vld [tilespmem:s24+$0x4840];
	[tilespmem:s22+$0x850] =	vst v2;
	v0 =	vmul.f32 v0, v10  }
0xa0: {  	v2 =	vld [tilespmem:s24+$0x4850];
	[tilespmem:s22+$0x860] =	vst v1  }
0xa1: {  	v1 =	vld [tilespmem:s24+$0x4860];
	[tilespmem:s22+$0x870] =	vst v0;
	s22 =	smov.u32 s24  }
0xa2: {  	v0 =	vld [tilespmem:s22+$0x4870]  }
0xa3: {  	v6 =	vld [tilespmem:s22+$0x800]  }
0xa4: {  	v7 =	vld [tilespmem:s22+$0x810]  }
.Ltmp3:
0xa5: {  	v10 =	vld [tilespmem:s22+$0x820];
	(pc) =	sbr.rel @p0 .LBB2_8-.Ltmp3, $4  }
0xa6: {  	v9 =	vld [tilespmem:s22+$0x830]  }
0xa7: {  	v8 =	vld [tilespmem:s22+$0x840]  }
0xa8: {  	v12 =	vmul.f32 v12, v6;
	v6 =	vld [tilespmem:s22+$0x850]  }
0xa9: {  	s23 =	sadd.s32 $0x200, s23;
	v11 =	vmul.f32 v11, v7;
	v7 =	vld [tilespmem:s22+$0x860]  }
0xaa: {  	[tilespmem:s22+$0x800] =	vst v12;
	v5 =	vmul.f32 v5, v10;
	v10 =	vld [tilespmem:s22+$0x870]  }
0xab: {  	[tilespmem:s22+$0x810] =	vst v11;
	v4 =	vmul.f32 v4, v9  }
0xac: {  	[tilespmem:s22+$0x820] =	vst v5;
	v3 =	vmul.f32 v3, v8  }
0xad: {  	[tilespmem:s22+$0x830] =	vst v4;
	v2 =	vmul.f32 v2, v6  }
0xae: {  	[tilespmem:s22+$0x840] =	vst v3;
	v1 =	vmul.f32 v1, v7  }
0xaf: {  	[tilespmem:s22+$0x850] =	vst v2;
	v0 =	vmul.f32 v0, v10  }
0xb0: {  	[tilespmem:s22+$0x860] =	vst v1  }
0xb1: {  	s31 =	simm.s32 $0x0;
	[tilespmem:s22+$0x870] =	vst v0  }
0xb2: {  	[hbm4b:s8+s31] =	stream.linear.scatter [tilespmem:s14], [sflag:$0x3], $0x4000, $0x38;
	[tilespmem:$0x10800] =	vst v63  }
0xb3: {  	_ =	swait.ge [sflag:s11], $0x4000  }
0xb4: {  	[sflag:s11] =	ssyncset.done $0x0  }
0xb5: {  	[sflag:s11] =	ssyncadd.s32 $0xFFFFC000  }
0xb6: {  	_ =	swait.ge [sflag:s20], $0x4000  }
0xb7: {  	[sflag:s20] =	ssyncset.done $0x0  }
0xb8: {  	[sflag:s20] =	ssyncadd.s32 $0xFFFFC000  }
0xb9: {  	_ =	swait.ge [sflag:s20], $0x4000  }
0xba: {  	[sflag:s20] =	ssyncset.done $0x0  }
0xbb: {  	s22 =	simm.s32 $0x0;
	[sflag:s20] =	ssyncadd.s32 $0xFFFFC000  }
0xbc: {  	v7 =	vld [tilespmem:s22+$0xC800]  }
0xbd: {  	v11 =	vld [tilespmem:s22+$0xC810]  }
0xbe: {  	v5 =	vld [tilespmem:s22+$0xC820]  }
0xbf: {  	v4 =	vld [tilespmem:s22+$0xC830]  }
0xc0: {  	v3 =	vld [tilespmem:s22+$0xC840]  }
0xc1: {  	v2 =	vld [tilespmem:s22+$0xC850]  }
0xc2: {  	v1 =	vld [tilespmem:s22+$0xC860]  }
0xc3: {  	v0 =	vld [tilespmem:s22+$0xC870]  }
0xc4: {  	v12 =	vld [tilespmem:s22+$0x8800]  }
0xc5: {  	v13 =	vld [tilespmem:s22+$0x8810]  }
0xc6: {  	v10 =	vld [tilespmem:s22+$0x8820]  }
0xc7: {  	v9 =	vld [tilespmem:s22+$0x8830]  }
0xc8: {  	v8 =	vld [tilespmem:s22+$0x8840]  }
0xc9: {  	v6 =	vld [tilespmem:s22+$0x8850];
	v12 =	vmul.f32 v7, v12  }
0xca: {  	s23 =	simm.s32 $0x200;
	v11 =	vmul.f32 v11, v13;
	v7 =	vld [tilespmem:s22+$0x8860]  }
.LBB2_10:
0xcb: {  	s24 =	sshra.s32 s23, $0x2;
	p0 =	sne.s32 s23, $0xFE00;
	[tilespmem:s22+$0x8800] =	vst v12;
	v5 =	vmul.f32 v5, v10;
	v10 =	vld [tilespmem:s22+$0x8870]  }
0xcc: {  	v12 =	vld [tilespmem:s24+$0xC800];
	[tilespmem:s22+$0x8810] =	vst v11;
	v4 =	vmul.f32 v4, v9  }
0xcd: {  	v11 =	vld [tilespmem:s24+$0xC810];
	[tilespmem:s22+$0x8820] =	vst v5;
	v3 =	vmul.f32 v3, v8  }
0xce: {  	v5 =	vld [tilespmem:s24+$0xC820];
	[tilespmem:s22+$0x8830] =	vst v4;
	v2 =	vmul.f32 v2, v6  }
0xcf: {  	v4 =	vld [tilespmem:s24+$0xC830];
	[tilespmem:s22+$0x8840] =	vst v3;
	v1 =	vmul.f32 v1, v7  }
0xd0: {  	v3 =	vld [tilespmem:s24+$0xC840];
	[tilespmem:s22+$0x8850] =	vst v2;
	v0 =	vmul.f32 v0, v10  }
0xd1: {  	v2 =	vld [tilespmem:s24+$0xC850];
	[tilespmem:s22+$0x8860] =	vst v1  }
0xd2: {  	v1 =	vld [tilespmem:s24+$0xC860];
	[tilespmem:s22+$0x8870] =	vst v0;
	s22 =	smov.u32 s24  }
0xd3: {  	v0 =	vld [tilespmem:s22+$0xC870]  }
0xd4: {  	v6 =	vld [tilespmem:s22+$0x8800]  }
0xd5: {  	v7 =	vld [tilespmem:s22+$0x8810]  }
.Ltmp4:
0xd6: {  	v10 =	vld [tilespmem:s22+$0x8820];
	(pc) =	sbr.rel @p0 .LBB2_10-.Ltmp4, $4  }
0xd7: {  	v9 =	vld [tilespmem:s22+$0x8830]  }
0xd8: {  	v8 =	vld [tilespmem:s22+$0x8840]  }
0xd9: {  	v12 =	vmul.f32 v12, v6;
	v6 =	vld [tilespmem:s22+$0x8850]  }
0xda: {  	s23 =	sadd.s32 $0x200, s23;
	v11 =	vmul.f32 v11, v7;
	v7 =	vld [tilespmem:s22+$0x8860]  }
0xdb: {  	[tilespmem:s22+$0x8800] =	vst v12;
	v5 =	vmul.f32 v5, v10;
	v63 =	vld [tilespmem:s22+$0x8870]  }
0xdc: {  	[tilespmem:s22+$0x8810] =	vst v11;
	v4 =	vmul.f32 v4, v9  }
0xdd: {  	[tilespmem:s22+$0x8820] =	vst v5;
	v3 =	vmul.f32 v3, v8  }
0xde: {  	[tilespmem:s22+$0x8830] =	vst v4;
	v2 =	vmul.f32 v2, v6  }
0xdf: {  	[tilespmem:s22+$0x8840] =	vst v3;
	v1 =	vmul.f32 v1, v7  }
0xe0: {  	s21 =	sadd.s32 $0x1, s21;
	[tilespmem:s22+$0x8850] =	vst v2;
	v0 =	vmul.f32 v0, v63  }
0xe1: {  	p0 =	sne.s32 s21, s10;
	[tilespmem:s22+$0x8860] =	vst v1  }
.Ltmp5:
0xe2: {  	[tilespmem:s22+$0x8870] =	vst v0;
	(pc) =	sbr.rel @p0 .LBB2_1-.Ltmp5, $4  }
0xe3: {  	[hbm4b:s9+s2] =	stream.linear.scatter [tilespmem:s16], [sflag:$0x3], $0x4000, $0x38;
	[tilespmem:$0x10800] =	vst v63  }
0xe4: {  	_ =	swait.ge [sflag:s11], $0x4000  }
0xe5: {  	[sflag:s11] =	ssyncset.done $0x0  }
0xe6: {  	[sflag:s11] =	ssyncadd.s32 $0xFFFFC000  }
0xe7: {  	_ =	sfence.sel $0x180000  }
0xe8: {  	[bflag:$0x0] =	sbarrier.arrive $0xFFFF  }
0xe9: {  	p0 =	sne.s32 s1, $0x0;
	_ =	strace $0x90000047  }
0xea: {  	s0 =	sadd.s32 @!p0 $0x100000, s0;
	[bflag:$0x2] =	sbarrier.arrive $0xFFFF  }
0xeb: {  	[sflag:s0] =	ssyncadd.tile.s32 @!p0 $0x1;
	_ =	shalt  }
.Lfunc_end2:
_tile_overlayer_lowered:
.L_overlay_start_2:
0xec: {  	(tag) =	ssettag $0x2  }
0xed: {  	s0 =	rddreg [dreg:$0x0];
	s2 =	stileid.u32  }
0xee: {  	s1 =	rddreg [dreg:$0x1];
	p0 =	sne.s32 s2, $0x0  }
0xef: {  	s3 =	rddreg [dreg:$0x2];
	[bflag:$0x3] =	sbarrier.arrive $0xFFFF;
	s2 =	simm.s32 @!p0 $0x1C03  }
0xf0: {  	[timem:s3], [sflag:s2] =	dma.local @!p0 [hbm:s0], s1  }
0xf1: {  	s0 =	simm.s32 @!p0 $0x3  }
0xf2: {  	_ =	swait.ge @!p0 [sflag:s0], s1  }
0xf3: {  	s1 =	ssub.s32 @!p0 $0x0, s1;
	[sflag:s0] =	ssyncset.done @!p0 $0x0  }
0xf4: {  	[sflag:s0] =	ssyncadd.s32 @!p0 s1  }
0xf5: {  	[bflag:$0x3] =	sbarrier.arrive $0xFFFF  }
0xf6: {  	_ =	shalt  }

</sc_bundles>
